<compile_context>
chip_gen: v7x
topology: tpu7x:2x2x1
jax: 0.10.2.dev20260603
libtpu: 0.0.44.dev20260713+nightly
codegen_flags: <defaults>
</compile_context>

<pallas_src>
import numpy as np
import jax
import jax.numpy as jnp
from jax import lax
from jax.experimental import pallas as pl
from jax.experimental.pallas import tpu as pltpu
from jax.experimental.pallas import tpu_sc as plsc

IM = 1024
STRIDE = 16
FEAT = IM // STRIDE
N_GT = 100
RPN_BATCHSIZE = 256
NUM_FG = 128
NEG_OV = 0.3
POS_OV = 0.7

TOTAL = FEAT * FEAT * 9
ROWS = TOTAL // 128
UINT32_MAX = np.iinfo(np.uint32).max
ONE_ROUND_MAX = int(np.floor(np.exp(np.log(float(UINT32_MAX)) / 3.0)))


def _base_anchors(base_size=16, ratios=(0.5, 1.0, 2.0), scales=(8.0, 16.0, 32.0)):
    xc = yc = (base_size - 1) / 2.0
    size = float(base_size * base_size)
    out = []
    for r in ratios:
        w = np.round(np.sqrt(size / r))
        h = np.round(w * r)
        for s in scales:
            W, H = w * s, h * s
            out.append([xc - 0.5 * (W - 1), yc - 0.5 * (H - 1),
                        xc + 0.5 * (W - 1), yc + 0.5 * (H - 1)])
    return np.array(out, dtype=np.float32)


def _all_anchors():
    base = _base_anchors()
    sx = np.arange(FEAT, dtype=np.float32) * STRIDE
    SX, SY = np.meshgrid(sx, sx)
    shifts = np.stack([SX.ravel(), SY.ravel(), SX.ravel(), SY.ravel()], axis=1)
    return (shifts[:, None, :] + base[None, :, :]).reshape(-1, 4).astype(np.float32)


_ANCH = _all_anchors()
_INSIDE = ((_ANCH[:, 0] >= 0) & (_ANCH[:, 1] >= 0)
           & (_ANCH[:, 2] < float(IM)) & (_ANCH[:, 3] < float(IM)))
A_IN = int(_INSIDE.sum())
AP = 18944
TROWS = AP // 128


def _threefry2x32_pair(key, x0, x1):
    u32 = np.uint32
    rot = [np.array([13, 15, 26, 6], u32), np.array([17, 29, 16, 24], u32)]

    def rotl(x, d):
        return ((x << d) | (x >> u32(32 - d))).astype(u32)

    x0 = x0.astype(u32)
    x1 = x1.astype(u32)
    ks0, ks1 = u32(key[0]), u32(key[1])
    ks2 = u32(ks0 ^ ks1 ^ u32(0x1BD11BDA))
    sched = [(ks1, ks2), (ks2, ks0), (ks0, ks1), (ks1, ks2), (ks2, ks0)]
    with np.errstate(over='ignore'):
        x0 = (x0 + ks0).astype(u32)
        x1 = (x1 + ks1).astype(u32)
        for i in range(5):
            for r in rot[i % 2]:
                x0 = (x0 + x1).astype(u32)
                x1 = rotl(x1, u32(r))
                x1 = (x1 ^ x0).astype(u32)
            a, b = sched[i]
            x0 = (x0 + a).astype(u32)
            x1 = (x1 + b + u32(i + 1)).astype(u32)
    return x0, x1


def _np_key(seed):
    return np.array([seed >> 32 & 0xFFFFFFFF, seed & 0xFFFFFFFF], np.uint32)


def _np_split(key, num=2):
    hi = np.zeros(num, np.uint32)
    lo = np.arange(num, dtype=np.uint32)
    o0, o1 = _threefry2x32_pair(key, hi, lo)
    return np.stack([o0, o1], axis=1)


def _np_bits(key, n):
    hi = np.zeros(n, np.uint32)
    lo = np.arange(n, dtype=np.uint32)
    o0, o1 = _threefry2x32_pair(key, hi, lo)
    return o0 ^ o1


def _shuffle_bits(seed):
    key = _np_key(seed)
    key1, sub1 = _np_split(key)
    _, sub2 = _np_split(key1)
    return _np_bits(sub1, A_IN), _np_bits(sub2, A_IN)


def _perm_tables(bits):
    sigma = np.argsort(bits, kind='stable')
    rho = np.empty(A_IN, np.int64)
    rho[sigma] = np.arange(A_IN)
    sig_p = np.full(AP, AP, np.int32)
    sig_p[:A_IN] = sigma.astype(np.int32)
    rho_p = np.zeros(AP, np.int32)
    rho_p[:A_IN] = rho.astype(np.int32)
    return sig_p, rho_p


_B1F, _B2F = _shuffle_bits(7)
_B1B, _B2B = _shuffle_bits(11)
_SIG1F, _RHO1F = _perm_tables(_B1F)
_SIG2F, _RHO2F = _perm_tables(_B2F)
_SIG1B, _RHO1B = _perm_tables(_B1B)
_SIG2B, _RHO2B = _perm_tables(_B2B)

_AX1 = _ANCH[:, 0].reshape(ROWS, 128)
_AY1 = _ANCH[:, 1].reshape(ROWS, 128)
_AX2 = _ANCH[:, 2].reshape(ROWS, 128)
_AY2 = _ANCH[:, 3].reshape(ROWS, 128)
_INS = _INSIDE.astype(np.float32).reshape(ROWS, 128)
_SIG4 = np.stack([_SIG1F, _SIG2F, _SIG1B, _SIG2B]).reshape(4, TROWS, 128)
_RHO1 = np.stack([_RHO1F, _RHO1B])
_RHO2 = np.stack([_RHO2F, _RHO2B])
_CUM128 = np.triu(np.ones((128, 128), np.float32), 1)
_CUMR288 = np.tril(np.ones((ROWS, ROWS), np.float32), -1)
_CUMR148 = np.tril(np.ones((TROWS, TROWS), np.float32), -1)

_BIG_I = np.int32(TOTAL + 1)


def _tca_body(gt_ref, ax1_ref, ay1_ref, ax2_ref, ay2_ref, ins_ref, sig_ref,
              m128_ref, mr288_ref, mr148_ref,
              lab_ref, scal_ref, pos_ref, s1_ref, s2_ref, tgt_ref,
              mx, bx1, by1, bx2, by2, flg):
    f32 = jnp.float32
    ax1, ay1 = ax1_ref[...], ay1_ref[...]
    ax2, ay2 = ax2_ref[...], ay2_ref[...]
    inside = ins_ref[...]
    ew = ax2 - ax1 + 1.0
    eh = ay2 - ay1 + 1.0
    area_a = ew * eh
    iota = (lax.broadcasted_iota(jnp.int32, (ROWS, 128), 0) * 128
            + lax.broadcasted_iota(jnp.int32, (ROWS, 128), 1))

    mx[...] = jnp.full((ROWS, 128), -1.0, f32)
    flg[...] = jnp.zeros((ROWS, 128), f32)
    bx1[...] = jnp.zeros((ROWS, 128), f32)
    by1[...] = jnp.zeros((ROWS, 128), f32)
    bx2[...] = jnp.zeros((ROWS, 128), f32)
    by2[...] = jnp.zeros((ROWS, 128), f32)

    U = 4

    def body(blk, _):
        ovs = []
        coords = []
        for u in range(U):
            g = blk * U + u
            gx1 = gt_ref[g, 0]
            gy1 = gt_ref[g, 1]
            gx2 = gt_ref[g, 2]
            gy2 = gt_ref[g, 3]
            ga = (gx2 - gx1 + 1.0) * (gy2 - gy1 + 1.0)
            iw = jnp.maximum(
                jnp.minimum(ax2, gx2) - jnp.maximum(ax1, gx1) + 1.0, 0.0)
            ih = jnp.maximum(
                jnp.minimum(ay2, gy2) - jnp.maximum(ay1, gy1) + 1.0, 0.0)
            inter = iw * ih
            ovs.append(inter / (area_a + ga - inter))
            coords.append((gx1, gy1, gx2, gy2))
        cv = ovs[0]
        cc = coords[0]
        for u in range(1, U):
            upd = ovs[u] > cv
            cv = jnp.where(upd, ovs[u], cv)
            cc = tuple(jnp.where(upd, coords[u][k], cc[k]) for k in range(4))
        cur = mx[...]
        upd = cv > cur
        mx[...] = jnp.where(upd, cv, cur)
        bx1[...] = jnp.where(upd, cc[0], bx1[...])
        by1[...] = jnp.where(upd, cc[1], by1[...])
        bx2[...] = jnp.where(upd, cc[2], bx2[...])
        by2[...] = jnp.where(upd, cc[3], by2[...])
        hit = jnp.zeros((ROWS, 128), jnp.bool_)
        for u in range(U):
            ovm = jnp.where(inside > 0.0, ovs[u], -1.0)
            mval = jnp.max(ovm)
            win = jnp.min(jnp.where(ovm == mval, iota, _BIG_I))
            hit = hit | (iota == win)
        flg[...] = jnp.where(hit, 1.0, flg[...])
        return 0

    lax.fori_loop(0, N_GT // U, body, 0)

    mo = mx[...]
    lab = jnp.where(mo < NEG_OV, 0.0, -1.0)
    lab = jnp.where(flg[...] > 0.0, 1.0, lab)
    lab = jnp.where(mo >= POS_OV, 1.0, lab)
    lab = jnp.where(inside > 0.0, lab, -1.0)
    lab_ref[...] = lab

    f_fg = jnp.where(lab == 1.0, 1.0, 0.0)
    f_bg = jnp.where(lab == 0.0, 1.0, 0.0)
    n_fg = jnp.sum(f_fg)
    n_bg = jnp.sum(f_bg)
    num_bg = 256.0 - jnp.minimum(n_fg, 128.0)
    size_fg = n_fg - 128.0
    size_bg = n_bg - num_bg

    m128 = m128_ref[...]

    def excum(v, mrow_ref):
        within = jnp.dot(v, m128, preferred_element_type=f32)
        rs = jnp.sum(v, axis=1, keepdims=True)
        carry = jnp.dot(mrow_ref[...], rs, preferred_element_type=f32)
        return within + carry

    pos_ref[0] = excum(f_fg, mr288_ref).astype(jnp.int32)
    pos_ref[1] = excum(f_bg, mr288_ref).astype(jnp.int32)

    nf_i = n_fg.astype(jnp.int32)
    nb_i = n_bg.astype(jnp.int32)
    t1f = jnp.where(sig_ref[0] < nf_i, 1.0, 0.0)
    t2f = jnp.where(sig_ref[1] < nf_i, 1.0, 0.0)
    t1b = jnp.where(sig_ref[2] < nb_i, 1.0, 0.0)
    t2b = jnp.where(sig_ref[3] < nb_i, 1.0, 0.0)
    s1_ref[0] = excum(t1f, mr148_ref).astype(jnp.int32)
    s1_ref[1] = excum(t1b, mr148_ref).astype(jnp.int32)
    s2_ref[0] = excum(t2f, mr148_ref).astype(jnp.int32)
    s2_ref[1] = excum(t2b, mr148_ref).astype(jnp.int32)

    vals = jnp.stack([n_fg, size_fg, n_bg, size_bg])
    scal_ref[...] = jnp.broadcast_to(vals[:, None], (4, 128)).astype(jnp.int32)

    gw = bx2[...] - bx1[...] + 1.0
    gh = by2[...] - by1[...] + 1.0
    gcx = bx1[...] + 0.5 * gw
    gcy = by1[...] + 0.5 * gh
    ecx = ax1 + 0.5 * ew
    ecy = ay1 + 0.5 * eh
    dx = (gcx - ecx) / ew
    dy = (gcy - ecy) / eh
    dw = jnp.log(gw / ew)
    dh = jnp.log(gh / eh)
    tgt_ref[0] = jnp.where(inside > 0.0, dx, 0.0)
    tgt_ref[1] = jnp.where(inside > 0.0, dy, 0.0)
    tgt_ref[2] = jnp.where(inside > 0.0, dw, 0.0)
    tgt_ref[3] = jnp.where(inside > 0.0, dh, 0.0)


def _run_tca(gt, interpret=False):
    f32 = jnp.float32
    i32 = jnp.int32
    vspec = pl.BlockSpec(memory_space=pltpu.VMEM)
    out_shapes = (
        jax.ShapeDtypeStruct((ROWS, 128), f32),
        jax.ShapeDtypeStruct((4, 128), i32),
        jax.ShapeDtypeStruct((2, ROWS, 128), i32),
        jax.ShapeDtypeStruct((2, TROWS, 128), i32),
        jax.ShapeDtypeStruct((2, TROWS, 128), i32),
        jax.ShapeDtypeStruct((4, ROWS, 128), f32),
    )
    return pl.pallas_call(
        _tca_body,
        out_shape=out_shapes,
        in_specs=[pl.BlockSpec(memory_space=pltpu.SMEM)] + [vspec] * 9,
        out_specs=(vspec,) * 6,
        scratch_shapes=[pltpu.VMEM((ROWS, 128), f32)] * 6,
        interpret=interpret,
    )(gt, jnp.asarray(_AX1), jnp.asarray(_AY1), jnp.asarray(_AX2),
      jnp.asarray(_AY2), jnp.asarray(_INS), jnp.asarray(_SIG4),
      jnp.asarray(_CUM128), jnp.asarray(_CUMR288), jnp.asarray(_CUMR148))


_HALF = TOTAL // 2
_CHUNK = _HALF // 8
_NVREG = _CHUNK // 16
_OCHUNK = _HALF // 16
_ONVREG = _OCHUNK // 16


def _scb_body(lab_hbm, pos_hbm, s1_hbm, s2_hbm, rho1_hbm, rho2_hbm, scal_hbm,
              dd_hbm, labout_hbm,
              rho1_v, rho2_v, s1_v, s2_v, lab_v, pos_v, out_v, n_v, sz_v,
              lab2_v, d0_v, d1_v, out2_v):
    c = lax.axis_index("c")
    s = lax.axis_index("s")
    k = s // 8
    j = s % 8
    base = c * _HALF + j * _CHUNK
    pltpu.sync_copy(rho1_hbm.at[pl.ds(k * AP, AP)], rho1_v)
    pltpu.sync_copy(rho2_hbm.at[pl.ds(k * AP, AP)], rho2_v)
    pltpu.sync_copy(s1_hbm.at[pl.ds(k * AP, AP)], s1_v)
    pltpu.sync_copy(s2_hbm.at[pl.ds(k * AP, AP)], s2_v)
    pltpu.sync_copy(lab_hbm.at[pl.ds(base, _CHUNK)], lab_v)
    pltpu.sync_copy(pos_hbm.at[pl.ds(k * TOTAL + base, _CHUNK)], pos_v)
    pltpu.sync_copy(scal_hbm.at[pl.ds(k * 256, 16)], n_v)
    pltpu.sync_copy(scal_hbm.at[pl.ds(k * 256 + 128, 16)], sz_v)

    ksel = (k == 0)
    want = jnp.where(ksel, 1.0, 0.0)
    delta_val = jnp.where(ksel, -2.0, -1.0)

    def body(i, _):
        sl = pl.ds(i * 16, 16)
        labv = lab_v[sl]
        posv = pos_v[sl]
        i1 = plsc.load_gather(rho1_v, [posv])
        r1 = plsc.load_gather(s1_v, [i1])
        i2 = plsc.load_gather(rho2_v, [r1])
        r2 = plsc.load_gather(s2_v, [i2])
        r = jnp.where(n_v[...] > ONE_ROUND_MAX, r2, r1)
        dis = (labv == want) & (r < sz_v[...])
        out_v[sl] = jnp.where(dis, delta_val, 0.0)
        return 0

    lax.fori_loop(0, _NVREG, body, 0)
    pltpu.sync_copy(out_v, dd_hbm.at[pl.ds(k * TOTAL + base, _CHUNK)])

    plsc.subcore_barrier()

    obase = c * _HALF + s * _OCHUNK
    pltpu.sync_copy(lab_hbm.at[pl.ds(obase, _OCHUNK)], lab2_v)
    pltpu.sync_copy(dd_hbm.at[pl.ds(obase, _OCHUNK)], d0_v)
    pltpu.sync_copy(dd_hbm.at[pl.ds(TOTAL + obase, _OCHUNK)], d1_v)

    def body2(i, _):
        sl = pl.ds(i * 16, 16)
        out2_v[sl] = lab2_v[sl] + d0_v[sl] + d1_v[sl]
        return 0

    lax.fori_loop(0, _ONVREG, body2, 0)
    pltpu.sync_copy(out2_v, labout_hbm.at[pl.ds(obase, _OCHUNK)])


def _run_scb(lab_flat, pos, s1, s2, scal, interpret=False):
    f32 = jnp.float32
    i32 = jnp.int32
    mesh = plsc.VectorSubcoreMesh(core_axis_name="c", subcore_axis_name="s",
                                  num_cores=2, num_subcores=16)
    kern = pl.kernel(
        _scb_body,
        out_type=(jax.ShapeDtypeStruct((2 * TOTAL,), f32),
                  jax.ShapeDtypeStruct((TOTAL,), f32)),
        mesh=mesh,
        scratch_types=[
            pltpu.VMEM((AP,), i32), pltpu.VMEM((AP,), i32),
            pltpu.VMEM((AP,), i32), pltpu.VMEM((AP,), i32),
            pltpu.VMEM((_CHUNK,), f32), pltpu.VMEM((_CHUNK,), i32),
            pltpu.VMEM((_CHUNK,), f32),
            pltpu.VMEM((16,), i32), pltpu.VMEM((16,), i32),
            pltpu.VMEM((_OCHUNK,), f32), pltpu.VMEM((_OCHUNK,), f32),
            pltpu.VMEM((_OCHUNK,), f32), pltpu.VMEM((_OCHUNK,), f32),
        ],
        compiler_params=pltpu.CompilerParams(needs_layout_passes=False),
        interpret=interpret,
    )
    return kern(lab_flat, pos, s1, s2,
                jnp.asarray(_RHO1.reshape(-1)), jnp.asarray(_RHO2.reshape(-1)),
                scal)


@jax.jit
def _impl(gt_boxes):
    lab0, scal, pos, s1, s2, tgt = _run_tca(gt_boxes)
    scal_flat = scal.reshape(512)
    lab_flat = lab0.reshape(TOTAL)
    pos_flat = pos.reshape(2 * TOTAL)
    s1_flat = s1.reshape(2 * AP)
    s2_flat = s2.reshape(2 * AP)
    _, lab_full = _run_scb(lab_flat, pos_flat, s1_flat, s2_flat, scal_flat)
    tgt_full = jnp.stack([tgt[0].reshape(TOTAL), tgt[1].reshape(TOTAL),
                          tgt[2].reshape(TOTAL), tgt[3].reshape(TOTAL)], axis=1)
    return lab_full, tgt_full


def kernel(scores, gt_boxes, im_info):
    del scores, im_info
    return _impl(gt_boxes)

# --- scband reference (transcript-rebuilt; emitter-appended) ---
"""Pipeline reference for scband-anchor-target-27015344291857 (READ-ONLY COPY).

The authoritative reference and input builder live on the scoring server;
editing this copy changes nothing except your own understanding.
"""

import jax, jax.numpy as jnp
import numpy as np

IM = 1024
STRIDE = 16
FEAT = IM // STRIDE
N_GT = 100
RPN_BATCHSIZE = 256
RPN_FG_FRACTION = 0.5
NEG_OV = 0.3
POS_OV = 0.7
BORDER = 0


def generate_base_anchors(base_size=16, ratios=(0.5, 1.0, 2.0), scales=(8.0, 16.0, 32.0)):
    xc = yc = (base_size - 1) / 2.0
    size = float(base_size * base_size)
    anchors = []
    for r in ratios:
        w = np.round(np.sqrt(size / r))
        h = np.round(w * r)
        for s in scales:
            W = w * s
            H = h * s
            anchors.append([xc - 0.5 * (W - 1), yc - 0.5 * (H - 1), xc + 0.5 * (W - 1), yc + 0.5 * (H - 1)])
    return np.array(anchors, dtype=np.float32)


def all_anchors_np():
    base = generate_base_anchors()
    sx = np.arange(FEAT, dtype=np.float32) * STRIDE
    sy = np.arange(FEAT, dtype=np.float32) * STRIDE
    SX, SY = np.meshgrid(sx, sy)
    shifts = np.stack([SX.ravel(), SY.ravel(), SX.ravel(), SY.ravel()], axis=1)
    return (shifts[:, None, :] + base[None, :, :]).reshape(-1, 4).astype(np.float32)


_ALL_ANCHORS_NP = all_anchors_np()
_INSIDE_COUNT = int(np.sum((_ALL_ANCHORS_NP[:, 0] >= -BORDER) & (_ALL_ANCHORS_NP[:, 1] >= -BORDER) & (_ALL_ANCHORS_NP[:, 2] < BORDER + float(IM)) & (_ALL_ANCHORS_NP[:, 3] < BORDER + float(IM))))
_UINT32_MAX = int(np.iinfo(np.uint32).max)
_ONE_ROUND_MAX = int(np.floor(np.exp(np.log(float(_UINT32_MAX)) / 3.0)))


def setup_inputs(seed: int = 0):
    key = jax.random.key(seed)
    k1, k2, k3 = jax.random.split(key, 3)
    scores = jax.random.normal(k1, (1, FEAT, FEAT, 18), dtype=jnp.float32)
    cxy = jax.random.uniform(k2, (N_GT, 2), minval=60.0, maxval=IM - 60.0)
    wh = jax.random.uniform(k3, (N_GT, 2), minval=24.0, maxval=320.0)
    x1 = jnp.clip(cxy[:, 0] - 0.5 * wh[:, 0], 0.0, IM - 2.0)
    y1 = jnp.clip(cxy[:, 1] - 0.5 * wh[:, 1], 0.0, IM - 2.0)
    x2 = jnp.clip(cxy[:, 0] + 0.5 * wh[:, 0], x1 + 1.0, IM - 1.0)
    y2 = jnp.clip(cxy[:, 1] + 0.5 * wh[:, 1], y1 + 1.0, IM - 1.0)
    gt_boxes = jnp.stack([x1, y1, x2, y2], axis=1)
    im_info = jnp.array([IM, IM, 1.0], dtype=jnp.float32)
    return {'scores': scores, 'gt_boxes': gt_boxes, 'im_info': im_info}


def _overlap(a, b):
    area_a = (a[:, 2] - a[:, 0] + 1.0) * (a[:, 3] - a[:, 1] + 1.0)
    area_b = (b[:, 2] - b[:, 0] + 1.0) * (b[:, 3] - b[:, 1] + 1.0)
    iw = jnp.minimum(a[:, None, 2], b[None, :, 2]) - jnp.maximum(a[:, None, 0], b[None, :, 0]) + 1.0
    ih = jnp.minimum(a[:, None, 3], b[None, :, 3]) - jnp.maximum(a[:, None, 1], b[None, :, 1]) + 1.0
    iw = jnp.maximum(iw, 0.0)
    ih = jnp.maximum(ih, 0.0)
    inter = iw * ih
    union = area_a[:, None] + area_b[None, :] - inter
    return inter / union


def _bbox_transform(ex, gt):
    ew = ex[:, 2] - ex[:, 0] + 1.0
    eh = ex[:, 3] - ex[:, 1] + 1.0
    ecx = ex[:, 0] + 0.5 * ew
    ecy = ex[:, 1] + 0.5 * eh
    gw = gt[:, 2] - gt[:, 0] + 1.0
    gh = gt[:, 3] - gt[:, 1] + 1.0
    gcx = gt[:, 0] + 0.5 * gw
    gcy = gt[:, 1] + 0.5 * gh
    dx = (gcx - ecx) / ew
    dy = (gcy - ecy) / eh
    dw = jnp.log(gw / ew)
    dh = jnp.log(gh / eh)
    return jnp.stack([dx, dy, dw, dh], axis=1)


def _masked_shuffle(key, x, n):
    N = x.shape[0]
    pos = jnp.arange(N)
    maxu = jnp.uint32(_UINT32_MAX)
    key1, sub1 = jax.random.split(key)
    _, sub2 = jax.random.split(key1)
    b1 = jax.random.bits(sub1, (N,), jnp.uint32)
    _, x1 = jax.lax.sort_key_val(jnp.where(pos < n, b1, maxu), x)
    b2 = jax.random.bits(sub2, (N,), jnp.uint32)
    _, x2 = jax.lax.sort_key_val(jnp.where(pos < n, b2, maxu), x1)
    return jnp.where(n > _ONE_ROUND_MAX, x2, jnp.where(n > 1, x1, x))


def reference(scores, gt_boxes, im_info):
    all_a = jnp.asarray(all_anchors_np())
    total = all_a.shape[0]
    mask = (all_a[:, 0] >= -BORDER) & (all_a[:, 1] >= -BORDER) & (all_a[:, 2] < BORDER + im_info[1]) & (all_a[:, 3] < BORDER + im_info[0])
    inds_inside = jnp.where(mask, size=_INSIDE_COUNT, fill_value=0)[0]
    anchors = all_a[inds_inside]
    A = anchors.shape[0]
    ov = _overlap(anchors, gt_boxes)
    argmax_inds = jnp.argmax(ov, axis=1)
    max_ov = jnp.take_along_axis(ov, argmax_inds[:, None], axis=1)[:, 0]
    gt_argmax = jnp.argmax(ov, axis=0)
    labels = -jnp.ones((A,), jnp.float32)
    labels = jnp.where(max_ov < NEG_OV, 0.0, labels)
    labels = labels.at[gt_argmax].set(1.0)
    labels = jnp.where(max_ov >= POS_OV, 1.0, labels)
    num_fg = int(RPN_FG_FRACTION * RPN_BATCHSIZE)
    fg = jnp.where(labels == 1.0, size=A, fill_value=0)[0]
    n_fg = jnp.sum(labels == 1.0)
    size = n_fg - num_fg
    dis = _masked_shuffle(jax.random.key(7), fg, n_fg)
    pos = jnp.arange(A)
    labels = labels.at[jnp.where(pos < size, dis, A)].set(-1.0, mode='drop')
    num_bg = RPN_BATCHSIZE - jnp.sum(labels == 1.0)
    bg = jnp.where(labels == 0.0, size=A, fill_value=0)[0]
    n_bg = jnp.sum(labels == 0.0)
    size = n_bg - num_bg
    dis = _masked_shuffle(jax.random.key(11), bg, n_bg)
    labels = labels.at[jnp.where(pos < size, dis, A)].set(-1.0, mode='drop')
    gt = jnp.take(gt_boxes, argmax_inds, axis=0)
    targets = _bbox_transform(anchors, gt)
    lab_full = -jnp.ones((total,), jnp.float32)
    lab_full = lab_full.at[inds_inside].add(-lab_full[inds_inside] + labels)
    tgt_full = jnp.zeros((total, 4), jnp.float32)
    tgt_full = tgt_full.at[inds_inside].add(-tgt_full[inds_inside] + targets)
    return lab_full, tgt_full

if __name__ == "__main__":
    import jax
    _d = setup_inputs()
    print(jax.jit(kernel)(*tuple(_d.values())))

</pallas_src>

<mosaic_0001>
#map = affine_map<(d0, d1) -> (0)>
module attributes {stable_mosaic.version = 14 : i64} {
  func.func @_scb_body(%arg0: i32, %arg1: i32, %arg2: memref<36864xf32, #tpu.memory_space<hbm>>, %arg3: memref<73728xi32, #tpu.memory_space<hbm>>, %arg4: memref<37888xi32, #tpu.memory_space<hbm>>, %arg5: memref<37888xi32, #tpu.memory_space<hbm>>, %arg6: memref<37888xi32, #tpu.memory_space<hbm>>, %arg7: memref<37888xi32, #tpu.memory_space<hbm>>, %arg8: memref<512xi32, #tpu.memory_space<hbm>>, %arg9: memref<73728xf32, #tpu.memory_space<hbm>>, %arg10: memref<36864xf32, #tpu.memory_space<hbm>>, %arg11: memref<18944xi32, #tpu.memory_space<vmem>>, %arg12: memref<18944xi32, #tpu.memory_space<vmem>>, %arg13: memref<18944xi32, #tpu.memory_space<vmem>>, %arg14: memref<18944xi32, #tpu.memory_space<vmem>>, %arg15: memref<2304xf32, #tpu.memory_space<vmem>>, %arg16: memref<2304xi32, #tpu.memory_space<vmem>>, %arg17: memref<2304xf32, #tpu.memory_space<vmem>>, %arg18: memref<16xi32, #tpu.memory_space<vmem>>, %arg19: memref<16xi32, #tpu.memory_space<vmem>>, %arg20: memref<1152xf32, #tpu.memory_space<vmem>>, %arg21: memref<1152xf32, #tpu.memory_space<vmem>>, %arg22: memref<1152xf32, #tpu.memory_space<vmem>>, %arg23: memref<1152xf32, #tpu.memory_space<vmem>>) attributes {dimension_semantics = [#tpu.dimension_semantics<core_parallel>, #tpu.dimension_semantics<subcore_parallel>], iteration_bounds = array<i64: 2, 16>, scalar_prefetch = 0 : i64, scratch_operands = 13 : i64, tpu.core_type = #tpu.core_type<sc_vector_subcore>, window_params = [{transform_indices = #map}, {transform_indices = #map}, {transform_indices = #map}, {transform_indices = #map}, {transform_indices = #map}, {transform_indices = #map}, {transform_indices = #map}, {transform_indices = #map}, {transform_indices = #map}]} {
    %jit3A = arith.constant 8 : i32
    %div3A = arith.divsi %arg1, %jit3A : i32
    %sign3A = arith.constant 0 : i32
    %sign3A_0 = arith.cmpi sgt, %arg1, %sign3A : i32
    %sign3A_1 = arith.extui %sign3A_0 : i1 to i32
    %sign3A_2 = arith.constant 0 : i32
    %sign3A_3 = arith.cmpi slt, %arg1, %sign3A_2 : i32
    %sign3A_4 = arith.extui %sign3A_3 : i1 to i32
    %sign3A_5 = arith.subi %sign3A_1, %sign3A_4 : i32
    %sign3A_6 = arith.constant 0 : i32
    %sign3A_7 = arith.cmpi sgt, %jit3A, %sign3A_6 : i32
    %sign3A_8 = arith.extui %sign3A_7 : i1 to i32
    %sign3A_9 = arith.constant 0 : i32
    %sign3A_10 = arith.cmpi slt, %jit3A, %sign3A_9 : i32
    %sign3A_11 = arith.extui %sign3A_10 : i1 to i32
    %sign3A_12 = arith.subi %sign3A_8, %sign3A_11 : i32
    %ne3A = arith.cmpi ne, %sign3A_5, %sign3A_12 : i32
    %rem3A = arith.remsi %arg1, %jit3A : i32
    %ne3A_13 = arith.constant 0 : i32
    %ne3A_14 = arith.cmpi ne, %rem3A, %ne3A_13 : i32
    %and3A = arith.andi %ne3A, %ne3A_14 : i1
    %sub3A = arith.constant 1 : i32
    %sub3A_15 = arith.subi %div3A, %sub3A : i32
    %select_n3A = arith.select %and3A, %sub3A_15, %div3A : i32
    %jit3A_16 = arith.constant 8 : i32
    %eq3A = arith.constant 0 : i32
    %eq3A_17 = arith.cmpi eq, %jit3A_16, %eq3A : i32
    %jit3A_18 = arith.constant 1 : i32
    %select_n3A_19 = arith.select %eq3A_17, %jit3A_18, %jit3A_16 : i32
    %rem3A_20 = arith.remsi %arg1, %select_n3A_19 : i32
    %ne3A_21 = arith.constant 0 : i32
    %ne3A_22 = arith.cmpi ne, %rem3A_20, %ne3A_21 : i32
    %lt3A = arith.constant 0 : i32
    %lt3A_23 = arith.cmpi slt, %rem3A_20, %lt3A : i32
    %lt3A_24 = arith.constant 0 : i32
    %lt3A_25 = arith.cmpi slt, %select_n3A_19, %lt3A_24 : i32
    %ne3A_26 = arith.xori %lt3A_23, %lt3A_25 : i1
    %and3A_27 = arith.andi %ne3A_26, %ne3A_22 : i1
    %add3A = arith.addi %rem3A_20, %select_n3A_19 : i32
    %select_n3A_28 = arith.select %and3A_27, %add3A, %rem3A_20 : i32
    %mul3A = arith.constant 18432 : i32
    %mul3A_29 = arith.muli %arg0, %mul3A : i32
    %mul3A_30 = arith.constant 2304 : i32
    %mul3A_31 = arith.muli %select_n3A_28, %mul3A_30 : i32
    %add3A_32 = arith.addi %mul3A_29, %mul3A_31 : i32
    %mul3A_33 = arith.constant 18944 : i32
    %mul3A_34 = arith.muli %select_n3A, %mul3A_33 : i32
    "tpu.region"() ({
      %run_scoped3A = tpu.sem_alloc : memref<!tpu.dma_semaphore, #tpu.memory_space<semaphore_mem>>
      %dma_start3A = tpu.memref_slice %arg6[%mul3A_34] : memref<37888xi32, #tpu.memory_space<hbm>> -> memref<18944xi32, #tpu.memory_space<hbm>>
      %dma_start3A_81 = tpu.memref_slice %arg6[%mul3A_34] : memref<37888xi32, #tpu.memory_space<hbm>> -> memref<18944xi32, #tpu.memory_space<hbm>>
      tpu.enqueue_dma source(%dma_start3A_81 : memref<18944xi32, #tpu.memory_space<hbm>>) target(%arg11 : memref<18944xi32, #tpu.memory_space<vmem>>) target_semaphore(%run_scoped3A : memref<!tpu.dma_semaphore, #tpu.memory_space<semaphore_mem>>)
      %dma_wait3A = tpu.memref_slice %arg6[%mul3A_34] : memref<37888xi32, #tpu.memory_space<hbm>> -> memref<18944xi32, #tpu.memory_space<hbm>>
      %dma_wait3A_82 = tpu.memref_slice %arg6[%mul3A_34] : memref<37888xi32, #tpu.memory_space<hbm>> -> memref<18944xi32, #tpu.memory_space<hbm>>
      tpu.wait_dma2 semaphore(%run_scoped3A : memref<!tpu.dma_semaphore, #tpu.memory_space<semaphore_mem>>) src(%dma_wait3A_82 : memref<18944xi32, #tpu.memory_space<hbm>>) dst(%arg11 : memref<18944xi32, #tpu.memory_space<vmem>>)
      tpu.yield
    }) : () -> ()
    %mul3A_35 = arith.constant 18944 : i32
    %mul3A_36 = arith.muli %select_n3A, %mul3A_35 : i32
    "tpu.region"() ({
      %run_scoped3A = tpu.sem_alloc : memref<!tpu.dma_semaphore, #tpu.memory_space<semaphore_mem>>
      %dma_start3A = tpu.memref_slice %arg7[%mul3A_36] : memref<37888xi32, #tpu.memory_space<hbm>> -> memref<18944xi32, #tpu.memory_space<hbm>>
      %dma_start3A_81 = tpu.memref_slice %arg7[%mul3A_36] : memref<37888xi32, #tpu.memory_space<hbm>> -> memref<18944xi32, #tpu.memory_space<hbm>>
      tpu.enqueue_dma source(%dma_start3A_81 : memref<18944xi32, #tpu.memory_space<hbm>>) target(%arg12 : memref<18944xi32, #tpu.memory_space<vmem>>) target_semaphore(%run_scoped3A : memref<!tpu.dma_semaphore, #tpu.memory_space<semaphore_mem>>)
      %dma_wait3A = tpu.memref_slice %arg7[%mul3A_36] : memref<37888xi32, #tpu.memory_space<hbm>> -> memref<18944xi32, #tpu.memory_space<hbm>>
      %dma_wait3A_82 = tpu.memref_slice %arg7[%mul3A_36] : memref<37888xi32, #tpu.memory_space<hbm>> -> memref<18944xi32, #tpu.memory_space<hbm>>
      tpu.wait_dma2 semaphore(%run_scoped3A : memref<!tpu.dma_semaphore, #tpu.memory_space<semaphore_mem>>) src(%dma_wait3A_82 : memref<18944xi32, #tpu.memory_space<hbm>>) dst(%arg12 : memref<18944xi32, #tpu.memory_space<vmem>>)
      tpu.yield
    }) : () -> ()
    %mul3A_37 = arith.constant 18944 : i32
    %mul3A_38 = arith.muli %select_n3A, %mul3A_37 : i32
    "tpu.region"() ({
      %run_scoped3A = tpu.sem_alloc : memref<!tpu.dma_semaphore, #tpu.memory_space<semaphore_mem>>
      %dma_start3A = tpu.memref_slice %arg4[%mul3A_38] : memref<37888xi32, #tpu.memory_space<hbm>> -> memref<18944xi32, #tpu.memory_space<hbm>>
      %dma_start3A_81 = tpu.memref_slice %arg4[%mul3A_38] : memref<37888xi32, #tpu.memory_space<hbm>> -> memref<18944xi32, #tpu.memory_space<hbm>>
      tpu.enqueue_dma source(%dma_start3A_81 : memref<18944xi32, #tpu.memory_space<hbm>>) target(%arg13 : memref<18944xi32, #tpu.memory_space<vmem>>) target_semaphore(%run_scoped3A : memref<!tpu.dma_semaphore, #tpu.memory_space<semaphore_mem>>)
      %dma_wait3A = tpu.memref_slice %arg4[%mul3A_38] : memref<37888xi32, #tpu.memory_space<hbm>> -> memref<18944xi32, #tpu.memory_space<hbm>>
      %dma_wait3A_82 = tpu.memref_slice %arg4[%mul3A_38] : memref<37888xi32, #tpu.memory_space<hbm>> -> memref<18944xi32, #tpu.memory_space<hbm>>
      tpu.wait_dma2 semaphore(%run_scoped3A : memref<!tpu.dma_semaphore, #tpu.memory_space<semaphore_mem>>) src(%dma_wait3A_82 : memref<18944xi32, #tpu.memory_space<hbm>>) dst(%arg13 : memref<18944xi32, #tpu.memory_space<vmem>>)
      tpu.yield
    }) : () -> ()
    %mul3A_39 = arith.constant 18944 : i32
    %mul3A_40 = arith.muli %select_n3A, %mul3A_39 : i32
    "tpu.region"() ({
      %run_scoped3A = tpu.sem_alloc : memref<!tpu.dma_semaphore, #tpu.memory_space<semaphore_mem>>
      %dma_start3A = tpu.memref_slice %arg5[%mul3A_40] : memref<37888xi32, #tpu.memory_space<hbm>> -> memref<18944xi32, #tpu.memory_space<hbm>>
      %dma_start3A_81 = tpu.memref_slice %arg5[%mul3A_40] : memref<37888xi32, #tpu.memory_space<hbm>> -> memref<18944xi32, #tpu.memory_space<hbm>>
      tpu.enqueue_dma source(%dma_start3A_81 : memref<18944xi32, #tpu.memory_space<hbm>>) target(%arg14 : memref<18944xi32, #tpu.memory_space<vmem>>) target_semaphore(%run_scoped3A : memref<!tpu.dma_semaphore, #tpu.memory_space<semaphore_mem>>)
      %dma_wait3A = tpu.memref_slice %arg5[%mul3A_40] : memref<37888xi32, #tpu.memory_space<hbm>> -> memref<18944xi32, #tpu.memory_space<hbm>>
      %dma_wait3A_82 = tpu.memref_slice %arg5[%mul3A_40] : memref<37888xi32, #tpu.memory_space<hbm>> -> memref<18944xi32, #tpu.memory_space<hbm>>
      tpu.wait_dma2 semaphore(%run_scoped3A : memref<!tpu.dma_semaphore, #tpu.memory_space<semaphore_mem>>) src(%dma_wait3A_82 : memref<18944xi32, #tpu.memory_space<hbm>>) dst(%arg14 : memref<18944xi32, #tpu.memory_space<vmem>>)
      tpu.yield
    }) : () -> ()
    "tpu.region"() ({
      %run_scoped3A = tpu.sem_alloc : memref<!tpu.dma_semaphore, #tpu.memory_space<semaphore_mem>>
      %dma_start3A = tpu.memref_slice %arg2[%add3A_32] : memref<36864xf32, #tpu.memory_space<hbm>> -> memref<2304xf32, #tpu.memory_space<hbm>>
      %dma_start3A_81 = tpu.memref_slice %arg2[%add3A_32] : memref<36864xf32, #tpu.memory_space<hbm>> -> memref<2304xf32, #tpu.memory_space<hbm>>
      tpu.enqueue_dma source(%dma_start3A_81 : memref<2304xf32, #tpu.memory_space<hbm>>) target(%arg15 : memref<2304xf32, #tpu.memory_space<vmem>>) target_semaphore(%run_scoped3A : memref<!tpu.dma_semaphore, #tpu.memory_space<semaphore_mem>>)
      %dma_wait3A = tpu.memref_slice %arg2[%add3A_32] : memref<36864xf32, #tpu.memory_space<hbm>> -> memref<2304xf32, #tpu.memory_space<hbm>>
      %dma_wait3A_82 = tpu.memref_slice %arg2[%add3A_32] : memref<36864xf32, #tpu.memory_space<hbm>> -> memref<2304xf32, #tpu.memory_space<hbm>>
      tpu.wait_dma2 semaphore(%run_scoped3A : memref<!tpu.dma_semaphore, #tpu.memory_space<semaphore_mem>>) src(%dma_wait3A_82 : memref<2304xf32, #tpu.memory_space<hbm>>) dst(%arg15 : memref<2304xf32, #tpu.memory_space<vmem>>)
      tpu.yield
    }) : () -> ()
    %mul3A_41 = arith.constant 36864 : i32
    %mul3A_42 = arith.muli %select_n3A, %mul3A_41 : i32
    %add3A_43 = arith.addi %mul3A_42, %add3A_32 : i32
    "tpu.region"() ({
      %run_scoped3A = tpu.sem_alloc : memref<!tpu.dma_semaphore, #tpu.memory_space<semaphore_mem>>
      %dma_start3A = tpu.memref_slice %arg3[%add3A_43] : memref<73728xi32, #tpu.memory_space<hbm>> -> memref<2304xi32, #tpu.memory_space<hbm>>
      %dma_start3A_81 = tpu.memref_slice %arg3[%add3A_43] : memref<73728xi32, #tpu.memory_space<hbm>> -> memref<2304xi32, #tpu.memory_space<hbm>>
      tpu.enqueue_dma source(%dma_start3A_81 : memref<2304xi32, #tpu.memory_space<hbm>>) target(%arg16 : memref<2304xi32, #tpu.memory_space<vmem>>) target_semaphore(%run_scoped3A : memref<!tpu.dma_semaphore, #tpu.memory_space<semaphore_mem>>)
      %dma_wait3A = tpu.memref_slice %arg3[%add3A_43] : memref<73728xi32, #tpu.memory_space<hbm>> -> memref<2304xi32, #tpu.memory_space<hbm>>
      %dma_wait3A_82 = tpu.memref_slice %arg3[%add3A_43] : memref<73728xi32, #tpu.memory_space<hbm>> -> memref<2304xi32, #tpu.memory_space<hbm>>
      tpu.wait_dma2 semaphore(%run_scoped3A : memref<!tpu.dma_semaphore, #tpu.memory_space<semaphore_mem>>) src(%dma_wait3A_82 : memref<2304xi32, #tpu.memory_space<hbm>>) dst(%arg16 : memref<2304xi32, #tpu.memory_space<vmem>>)
      tpu.yield
    }) : () -> ()
    %mul3A_44 = arith.constant 256 : i32
    %mul3A_45 = arith.muli %select_n3A, %mul3A_44 : i32
    "tpu.region"() ({
      %run_scoped3A = tpu.sem_alloc : memref<!tpu.dma_semaphore, #tpu.memory_space<semaphore_mem>>
      %dma_start3A = tpu.memref_slice %arg8[%mul3A_45] : memref<512xi32, #tpu.memory_space<hbm>> -> memref<16xi32, #tpu.memory_space<hbm>>
      %dma_start3A_81 = tpu.memref_slice %arg8[%mul3A_45] : memref<512xi32, #tpu.memory_space<hbm>> -> memref<16xi32, #tpu.memory_space<hbm>>
      tpu.enqueue_dma source(%dma_start3A_81 : memref<16xi32, #tpu.memory_space<hbm>>) target(%arg18 : memref<16xi32, #tpu.memory_space<vmem>>) target_semaphore(%run_scoped3A : memref<!tpu.dma_semaphore, #tpu.memory_space<semaphore_mem>>)
      %dma_wait3A = tpu.memref_slice %arg8[%mul3A_45] : memref<512xi32, #tpu.memory_space<hbm>> -> memref<16xi32, #tpu.memory_space<hbm>>
      %dma_wait3A_82 = tpu.memref_slice %arg8[%mul3A_45] : memref<512xi32, #tpu.memory_space<hbm>> -> memref<16xi32, #tpu.memory_space<hbm>>
      tpu.wait_dma2 semaphore(%run_scoped3A : memref<!tpu.dma_semaphore, #tpu.memory_space<semaphore_mem>>) src(%dma_wait3A_82 : memref<16xi32, #tpu.memory_space<hbm>>) dst(%arg18 : memref<16xi32, #tpu.memory_space<vmem>>)
      tpu.yield
    }) : () -> ()
    %mul3A_46 = arith.constant 256 : i32
    %mul3A_47 = arith.muli %select_n3A, %mul3A_46 : i32
    %add3A_48 = arith.constant 128 : i32
    %add3A_49 = arith.addi %mul3A_47, %add3A_48 : i32
    "tpu.region"() ({
      %run_scoped3A = tpu.sem_alloc : memref<!tpu.dma_semaphore, #tpu.memory_space<semaphore_mem>>
      %dma_start3A = tpu.memref_slice %arg8[%add3A_49] : memref<512xi32, #tpu.memory_space<hbm>> -> memref<16xi32, #tpu.memory_space<hbm>>
      %dma_start3A_81 = tpu.memref_slice %arg8[%add3A_49] : memref<512xi32, #tpu.memory_space<hbm>> -> memref<16xi32, #tpu.memory_space<hbm>>
      tpu.enqueue_dma source(%dma_start3A_81 : memref<16xi32, #tpu.memory_space<hbm>>) target(%arg19 : memref<16xi32, #tpu.memory_space<vmem>>) target_semaphore(%run_scoped3A : memref<!tpu.dma_semaphore, #tpu.memory_space<semaphore_mem>>)
      %dma_wait3A = tpu.memref_slice %arg8[%add3A_49] : memref<512xi32, #tpu.memory_space<hbm>> -> memref<16xi32, #tpu.memory_space<hbm>>
      %dma_wait3A_82 = tpu.memref_slice %arg8[%add3A_49] : memref<512xi32, #tpu.memory_space<hbm>> -> memref<16xi32, #tpu.memory_space<hbm>>
      tpu.wait_dma2 semaphore(%run_scoped3A : memref<!tpu.dma_semaphore, #tpu.memory_space<semaphore_mem>>) src(%dma_wait3A_82 : memref<16xi32, #tpu.memory_space<hbm>>) dst(%arg19 : memref<16xi32, #tpu.memory_space<vmem>>)
      tpu.yield
    }) : () -> ()
    %eq3A_50 = arith.constant 0 : i32
    %eq3A_51 = arith.cmpi eq, %select_n3A, %eq3A_50 : i32
    %jit3A_52 = arith.constant 1.000000e+00 : f32
    %jit3A_53 = arith.constant 0.000000e+00 : f32
    %select_n3A_54 = arith.select %eq3A_51, %jit3A_52, %jit3A_53 : f32
    %jit3A_55 = arith.constant -2.000000e+00 : f32
    %jit3A_56 = arith.constant -1.000000e+00 : f32
    %select_n3A_57 = arith.select %eq3A_51, %jit3A_55, %jit3A_56 : f32
    %scan3A = arith.constant 0 : i32
    %scan3A_58 = arith.constant 0 : i32
    %scan3A_59 = arith.constant 144 : i32
    %scan3A_60 = arith.addi %scan3A_58, %scan3A_59 : i32
    %scan3A_61 = arith.constant 1 : i32
    %scan3A_62 = scf.for %scan3A_81 = %scan3A_58 to %scan3A_60 step %scan3A_61 iter_args(%scan3A_82 = %scan3A) -> (i32)  : i32 {
      %mul3A_83 = arith.constant 16 : i32
      %mul3A_84 = arith.muli %scan3A_81, %mul3A_83 : i32
      %get3A = arith.index_cast %mul3A_84 : i32 to index
      %get3A_85 = tpu.vector_load %arg15[%get3A] {strides = array<i32>} : memref<2304xf32, #tpu.memory_space<vmem>>, vector<16xf32>,
      %get3A_86 = arith.index_cast %mul3A_84 : i32 to index
      %get3A_87 = tpu.vector_load %arg16[%get3A_86] {strides = array<i32>} : memref<2304xi32, #tpu.memory_space<vmem>>, vector<16xi32>,
      %gather3A = tpu.vector_load_idx %arg11[%get3A_87] : memref<18944xi32, #tpu.memory_space<vmem>>[vector<16xi32>], vector<16xi32>,
      %gather3A_88 = tpu.vector_load_idx %arg13[%gather3A] : memref<18944xi32, #tpu.memory_space<vmem>>[vector<16xi32>], vector<16xi32>,
      %gather3A_89 = tpu.vector_load_idx %arg12[%gather3A_88] : memref<18944xi32, #tpu.memory_space<vmem>>[vector<16xi32>], vector<16xi32>,
      %gather3A_90 = tpu.vector_load_idx %arg14[%gather3A_89] : memref<18944xi32, #tpu.memory_space<vmem>>[vector<16xi32>], vector<16xi32>,
      %get3A_91 = arith.constant 0 : index
      %get3A_92 = tpu.vector_load %arg18[%get3A_91] {strides = array<i32>} : memref<16xi32, #tpu.memory_space<vmem>>, vector<16xi32>,
      %gt3A = arith.constant 1625 : i32
      %gt3A_93 = vector.broadcast %gt3A : i32 to vector<16xi32>
      %gt3A_94 = arith.cmpi sgt, %get3A_92, %gt3A_93 : vector<16xi32>
      %select_n3A_95 = arith.select %gt3A_94, %gather3A_90, %gather3A_88 : vector<16xi1>, vector<16xi32>
      %eq3A_96 = vector.broadcast %select_n3A_54 : f32 to vector<16xf32>
      %eq3A_97 = arith.cmpf oeq, %get3A_85, %eq3A_96 : vector<16xf32>
      %get3A_98 = arith.constant 0 : index
      %get3A_99 = tpu.vector_load %arg19[%get3A_98] {strides = array<i32>} : memref<16xi32, #tpu.memory_space<vmem>>, vector<16xi32>,
      %lt3A_100 = arith.cmpi slt, %select_n3A_95, %get3A_99 : vector<16xi32>
      %and3A_101 = arith.andi %eq3A_97, %lt3A_100 : vector<16xi1>
      %jit3A_102 = arith.constant 0.000000e+00 : f32
      %broadcast_in_dim3A = vector.broadcast %select_n3A_57 : f32 to vector<16xf32>
      %broadcast_in_dim3A_103 = vector.broadcast %jit3A_102 : f32 to vector<16xf32>
      %select_n3A_104 = arith.select %and3A_101, %broadcast_in_dim3A, %broadcast_in_dim3A_103 : vector<16xi1>, vector<16xf32>
      %swap3A = arith.index_cast %mul3A_84 : i32 to index
      %swap3A_105 = tpu.vector_load %arg17[%swap3A] {strides = array<i32>} : memref<2304xf32, #tpu.memory_space<vmem>>, vector<16xf32>,
      tpu.vector_store %arg17[%swap3A], %select_n3A_104 {strides = array<i32>} : memref<2304xf32, #tpu.memory_space<vmem>>, vector<16xf32>,
      %scan3A_106 = arith.constant 0 : i32
      scf.yield %scan3A_106 : i32
    }
    %scan3A_63 = arith.constant 144 : i32
    %mul3A_64 = arith.constant 36864 : i32
    %mul3A_65 = arith.muli %select_n3A, %mul3A_64 : i32
    %add3A_66 = arith.addi %mul3A_65, %add3A_32 : i32
    "tpu.region"() ({
      %run_scoped3A = tpu.sem_alloc : memref<!tpu.dma_semaphore, #tpu.memory_space<semaphore_mem>>
      %dma_start3A = tpu.memref_slice %arg9[%add3A_66] : memref<73728xf32, #tpu.memory_space<hbm>> -> memref<2304xf32, #tpu.memory_space<hbm>>
      %dma_start3A_81 = tpu.memref_slice %arg9[%add3A_66] : memref<73728xf32, #tpu.memory_space<hbm>> -> memref<2304xf32, #tpu.memory_space<hbm>>
      tpu.enqueue_dma source(%arg17 : memref<2304xf32, #tpu.memory_space<vmem>>) target(%dma_start3A_81 : memref<2304xf32, #tpu.memory_space<hbm>>) target_semaphore(%run_scoped3A : memref<!tpu.dma_semaphore, #tpu.memory_space<semaphore_mem>>)
      %dma_wait3A = tpu.memref_slice %arg9[%add3A_66] : memref<73728xf32, #tpu.memory_space<hbm>> -> memref<2304xf32, #tpu.memory_space<hbm>>
      %dma_wait3A_82 = tpu.memref_slice %arg9[%add3A_66] : memref<73728xf32, #tpu.memory_space<hbm>> -> memref<2304xf32, #tpu.memory_space<hbm>>
      tpu.wait_dma2 semaphore(%run_scoped3A : memref<!tpu.dma_semaphore, #tpu.memory_space<semaphore_mem>>) src(%arg17 : memref<2304xf32, #tpu.memory_space<vmem>>) dst(%dma_wait3A_82 : memref<2304xf32, #tpu.memory_space<hbm>>)
      tpu.yield
    }) : () -> ()
    %barrier3A = arith.constant 0 : index
    tpu.barrier barrier_id(%barrier3A)
    %mul3A_67 = arith.constant 18432 : i32
    %mul3A_68 = arith.muli %arg0, %mul3A_67 : i32
    %mul3A_69 = arith.constant 1152 : i32
    %mul3A_70 = arith.muli %arg1, %mul3A_69 : i32
    %add3A_71 = arith.addi %mul3A_68, %mul3A_70 : i32
    "tpu.region"() ({
      %run_scoped3A = tpu.sem_alloc : memref<!tpu.dma_semaphore, #tpu.memory_space<semaphore_mem>>
      %dma_start3A = tpu.memref_slice %arg2[%add3A_71] : memref<36864xf32, #tpu.memory_space<hbm>> -> memref<1152xf32, #tpu.memory_space<hbm>>
      %dma_start3A_81 = tpu.memref_slice %arg2[%add3A_71] : memref<36864xf32, #tpu.memory_space<hbm>> -> memref<1152xf32, #tpu.memory_space<hbm>>
      tpu.enqueue_dma source(%dma_start3A_81 : memref<1152xf32, #tpu.memory_space<hbm>>) target(%arg20 : memref<1152xf32, #tpu.memory_space<vmem>>) target_semaphore(%run_scoped3A : memref<!tpu.dma_semaphore, #tpu.memory_space<semaphore_mem>>)
      %dma_wait3A = tpu.memref_slice %arg2[%add3A_71] : memref<36864xf32, #tpu.memory_space<hbm>> -> memref<1152xf32, #tpu.memory_space<hbm>>
      %dma_wait3A_82 = tpu.memref_slice %arg2[%add3A_71] : memref<36864xf32, #tpu.memory_space<hbm>> -> memref<1152xf32, #tpu.memory_space<hbm>>
      tpu.wait_dma2 semaphore(%run_scoped3A : memref<!tpu.dma_semaphore, #tpu.memory_space<semaphore_mem>>) src(%dma_wait3A_82 : memref<1152xf32, #tpu.memory_space<hbm>>) dst(%arg20 : memref<1152xf32, #tpu.memory_space<vmem>>)
      tpu.yield
    }) : () -> ()
    "tpu.region"() ({
      %run_scoped3A = tpu.sem_alloc : memref<!tpu.dma_semaphore, #tpu.memory_space<semaphore_mem>>
      %dma_start3A = tpu.memref_slice %arg9[%add3A_71] : memref<73728xf32, #tpu.memory_space<hbm>> -> memref<1152xf32, #tpu.memory_space<hbm>>
      %dma_start3A_81 = tpu.memref_slice %arg9[%add3A_71] : memref<73728xf32, #tpu.memory_space<hbm>> -> memref<1152xf32, #tpu.memory_space<hbm>>
      tpu.enqueue_dma source(%dma_start3A_81 : memref<1152xf32, #tpu.memory_space<hbm>>) target(%arg21 : memref<1152xf32, #tpu.memory_space<vmem>>) target_semaphore(%run_scoped3A : memref<!tpu.dma_semaphore, #tpu.memory_space<semaphore_mem>>)
      %dma_wait3A = tpu.memref_slice %arg9[%add3A_71] : memref<73728xf32, #tpu.memory_space<hbm>> -> memref<1152xf32, #tpu.memory_space<hbm>>
      %dma_wait3A_82 = tpu.memref_slice %arg9[%add3A_71] : memref<73728xf32, #tpu.memory_space<hbm>> -> memref<1152xf32, #tpu.memory_space<hbm>>
      tpu.wait_dma2 semaphore(%run_scoped3A : memref<!tpu.dma_semaphore, #tpu.memory_space<semaphore_mem>>) src(%dma_wait3A_82 : memref<1152xf32, #tpu.memory_space<hbm>>) dst(%arg21 : memref<1152xf32, #tpu.memory_space<vmem>>)
      tpu.yield
    }) : () -> ()
    %add3A_72 = arith.constant 36864 : i32
    %add3A_73 = arith.addi %add3A_72, %add3A_71 : i32
    "tpu.region"() ({
      %run_scoped3A = tpu.sem_alloc : memref<!tpu.dma_semaphore, #tpu.memory_space<semaphore_mem>>
      %dma_start3A = tpu.memref_slice %arg9[%add3A_73] : memref<73728xf32, #tpu.memory_space<hbm>> -> memref<1152xf32, #tpu.memory_space<hbm>>
      %dma_start3A_81 = tpu.memref_slice %arg9[%add3A_73] : memref<73728xf32, #tpu.memory_space<hbm>> -> memref<1152xf32, #tpu.memory_space<hbm>>
      tpu.enqueue_dma source(%dma_start3A_81 : memref<1152xf32, #tpu.memory_space<hbm>>) target(%arg22 : memref<1152xf32, #tpu.memory_space<vmem>>) target_semaphore(%run_scoped3A : memref<!tpu.dma_semaphore, #tpu.memory_space<semaphore_mem>>)
      %dma_wait3A = tpu.memref_slice %arg9[%add3A_73] : memref<73728xf32, #tpu.memory_space<hbm>> -> memref<1152xf32, #tpu.memory_space<hbm>>
      %dma_wait3A_82 = tpu.memref_slice %arg9[%add3A_73] : memref<73728xf32, #tpu.memory_space<hbm>> -> memref<1152xf32, #tpu.memory_space<hbm>>
      tpu.wait_dma2 semaphore(%run_scoped3A : memref<!tpu.dma_semaphore, #tpu.memory_space<semaphore_mem>>) src(%dma_wait3A_82 : memref<1152xf32, #tpu.memory_space<hbm>>) dst(%arg22 : memref<1152xf32, #tpu.memory_space<vmem>>)
      tpu.yield
    }) : () -> ()
    %scan3A_74 = arith.constant 0 : i32
    %scan3A_75 = arith.constant 0 : i32
    %scan3A_76 = arith.constant 72 : i32
    %scan3A_77 = arith.addi %scan3A_75, %scan3A_76 : i32
    %scan3A_78 = arith.constant 1 : i32
    %scan3A_79 = scf.for %scan3A_81 = %scan3A_75 to %scan3A_77 step %scan3A_78 iter_args(%scan3A_82 = %scan3A_74) -> (i32)  : i32 {
      %mul3A_83 = arith.constant 16 : i32
      %mul3A_84 = arith.muli %scan3A_81, %mul3A_83 : i32
      %get3A = arith.index_cast %mul3A_84 : i32 to index
      %get3A_85 = tpu.vector_load %arg20[%get3A] {strides = array<i32>} : memref<1152xf32, #tpu.memory_space<vmem>>, vector<16xf32>,
      %get3A_86 = arith.index_cast %mul3A_84 : i32 to index
      %get3A_87 = tpu.vector_load %arg21[%get3A_86] {strides = array<i32>} : memref<1152xf32, #tpu.memory_space<vmem>>, vector<16xf32>,
      %add3A_88 = arith.addf %get3A_85, %get3A_87 : vector<16xf32>
      %get3A_89 = arith.index_cast %mul3A_84 : i32 to index
      %get3A_90 = tpu.vector_load %arg22[%get3A_89] {strides = array<i32>} : memref<1152xf32, #tpu.memory_space<vmem>>, vector<16xf32>,
      %add3A_91 = arith.addf %add3A_88, %get3A_90 : vector<16xf32>
      %swap3A = arith.index_cast %mul3A_84 : i32 to index
      %swap3A_92 = tpu.vector_load %arg23[%swap3A] {strides = array<i32>} : memref<1152xf32, #tpu.memory_space<vmem>>, vector<16xf32>,
      tpu.vector_store %arg23[%swap3A], %add3A_91 {strides = array<i32>} : memref<1152xf32, #tpu.memory_space<vmem>>, vector<16xf32>,
      %scan3A_93 = arith.constant 0 : i32
      scf.yield %scan3A_93 : i32
    }
    %scan3A_80 = arith.constant 72 : i32
    "tpu.region"() ({
      %run_scoped3A = tpu.sem_alloc : memref<!tpu.dma_semaphore, #tpu.memory_space<semaphore_mem>>
      %dma_start3A = tpu.memref_slice %arg10[%add3A_71] : memref<36864xf32, #tpu.memory_space<hbm>> -> memref<1152xf32, #tpu.memory_space<hbm>>
      %dma_start3A_81 = tpu.memref_slice %arg10[%add3A_71] : memref<36864xf32, #tpu.memory_space<hbm>> -> memref<1152xf32, #tpu.memory_space<hbm>>
      tpu.enqueue_dma source(%arg23 : memref<1152xf32, #tpu.memory_space<vmem>>) target(%dma_start3A_81 : memref<1152xf32, #tpu.memory_space<hbm>>) target_semaphore(%run_scoped3A : memref<!tpu.dma_semaphore, #tpu.memory_space<semaphore_mem>>)
      %dma_wait3A = tpu.memref_slice %arg10[%add3A_71] : memref<36864xf32, #tpu.memory_space<hbm>> -> memref<1152xf32, #tpu.memory_space<hbm>>
      %dma_wait3A_82 = tpu.memref_slice %arg10[%add3A_71] : memref<36864xf32, #tpu.memory_space<hbm>> -> memref<1152xf32, #tpu.memory_space<hbm>>
      tpu.wait_dma2 semaphore(%run_scoped3A : memref<!tpu.dma_semaphore, #tpu.memory_space<semaphore_mem>>) src(%arg23 : memref<1152xf32, #tpu.memory_space<vmem>>) dst(%dma_wait3A_82 : memref<1152xf32, #tpu.memory_space<hbm>>)
      tpu.yield
    }) : () -> ()
    return
  }
}

module attributes {stable_mosaic.version = 14 : i64} {
  func.func @_tca_body(%arg0: memref<100x4xf32, #tpu.memory_space<smem>>, %arg1: memref<288x128xf32, #tpu.memory_space<vmem>>, %arg2: memref<288x128xf32, #tpu.memory_space<vmem>>, %arg3: memref<288x128xf32, #tpu.memory_space<vmem>>, %arg4: memref<288x128xf32, #tpu.memory_space<vmem>>, %arg5: memref<288x128xf32, #tpu.memory_space<vmem>>, %arg6: memref<4x148x128xi32, #tpu.memory_space<vmem>>, %arg7: memref<128x128xf32, #tpu.memory_space<vmem>>, %arg8: memref<288x288xf32, #tpu.memory_space<vmem>>, %arg9: memref<148x148xf32, #tpu.memory_space<vmem>>, %arg10: memref<288x128xf32, #tpu.memory_space<vmem>>, %arg11: memref<4x128xi32, #tpu.memory_space<vmem>>, %arg12: memref<2x288x128xi32, #tpu.memory_space<vmem>>, %arg13: memref<2x148x128xi32, #tpu.memory_space<vmem>>, %arg14: memref<2x148x128xi32, #tpu.memory_space<vmem>>, %arg15: memref<4x288x128xf32, #tpu.memory_space<vmem>>, %arg16: memref<288x128xf32, #tpu.memory_space<vmem>>, %arg17: memref<288x128xf32, #tpu.memory_space<vmem>>, %arg18: memref<288x128xf32, #tpu.memory_space<vmem>>, %arg19: memref<288x128xf32, #tpu.memory_space<vmem>>, %arg20: memref<288x128xf32, #tpu.memory_space<vmem>>, %arg21: memref<288x128xf32, #tpu.memory_space<vmem>>) attributes {dimension_semantics = [], scalar_prefetch = 0 : i64, scratch_operands = 6 : i64, tpu.core_type = #tpu.core_type<tc>} {
    %get3A = arith.constant 0 : index
    %get3A_0 = arith.constant 0 : index
    %get3A_1 = vector.load %arg1[%get3A, %get3A_0] : memref<288x128xf32, #tpu.memory_space<vmem>>, vector<288x128xf32>
    %get3A_2 = arith.constant 0 : index
    %get3A_3 = arith.constant 0 : index
    %get3A_4 = vector.load %arg2[%get3A_2, %get3A_3] : memref<288x128xf32, #tpu.memory_space<vmem>>, vector<288x128xf32>
    %get3A_5 = arith.constant 0 : index
    %get3A_6 = arith.constant 0 : index
    %get3A_7 = vector.load %arg3[%get3A_5, %get3A_6] : memref<288x128xf32, #tpu.memory_space<vmem>>, vector<288x128xf32>
    %get3A_8 = arith.constant 0 : index
    %get3A_9 = arith.constant 0 : index
    %get3A_10 = vector.load %arg4[%get3A_8, %get3A_9] : memref<288x128xf32, #tpu.memory_space<vmem>>, vector<288x128xf32>
    %get3A_11 = arith.constant 0 : index
    %get3A_12 = arith.constant 0 : index
    %get3A_13 = vector.load %arg5[%get3A_11, %get3A_12] : memref<288x128xf32, #tpu.memory_space<vmem>>, vector<288x128xf32>
    %sub3A = arith.subf %get3A_7, %get3A_1 : vector<288x128xf32>
    %add3A = arith.constant 1.000000e+00 : f32
    %add3A_14 = vector.broadcast %add3A : f32 to vector<288x128xf32>
    %add3A_15 = arith.addf %sub3A, %add3A_14 : vector<288x128xf32>
    %sub3A_16 = arith.subf %get3A_10, %get3A_4 : vector<288x128xf32>
    %add3A_17 = arith.constant 1.000000e+00 : f32
    %add3A_18 = vector.broadcast %add3A_17 : f32 to vector<288x128xf32>
    %add3A_19 = arith.addf %sub3A_16, %add3A_18 : vector<288x128xf32>
    %mul3A = arith.mulf %add3A_15, %add3A_19 : vector<288x128xf32>
    %iota3A = tpu.iota {dimensions = array<i32: 0>} : vector<288x128xi32>
    %mul3A_20 = arith.constant 128 : i32
    %mul3A_21 = vector.broadcast %mul3A_20 : i32 to vector<288x128xi32>
    %mul3A_22 = arith.muli %iota3A, %mul3A_21 : vector<288x128xi32>
    %iota3A_23 = tpu.iota {dimensions = array<i32: 1>} : vector<288x128xi32>
    %add3A_24 = arith.addi %mul3A_22, %iota3A_23 : vector<288x128xi32>
    %broadcast_in_dim3A = arith.constant -1.000000e+00 : f32
    %broadcast_in_dim3A_25 = vector.broadcast %broadcast_in_dim3A : f32 to vector<288x128xf32>
    %swap3A = arith.constant 0 : index
    %swap3A_26 = arith.constant 0 : index
    %swap3A_27 = vector.load %arg16[%swap3A, %swap3A_26] : memref<288x128xf32, #tpu.memory_space<vmem>>, vector<288x128xf32>
    tpu.vector_store %arg16[%swap3A, %swap3A_26], %broadcast_in_dim3A_25 {strides = array<i32>} : memref<288x128xf32, #tpu.memory_space<vmem>>, vector<288x128xf32>,
    %broadcast_in_dim3A_28 = arith.constant 0.000000e+00 : f32
    %broadcast_in_dim3A_29 = vector.broadcast %broadcast_in_dim3A_28 : f32 to vector<288x128xf32>
    %swap3A_30 = arith.constant 0 : index
    %swap3A_31 = arith.constant 0 : index
    %swap3A_32 = vector.load %arg21[%swap3A_30, %swap3A_31] : memref<288x128xf32, #tpu.memory_space<vmem>>, vector<288x128xf32>
    tpu.vector_store %arg21[%swap3A_30, %swap3A_31], %broadcast_in_dim3A_29 {strides = array<i32>} : memref<288x128xf32, #tpu.memory_space<vmem>>, vector<288x128xf32>,
    %broadcast_in_dim3A_33 = arith.constant 0.000000e+00 : f32
    %broadcast_in_dim3A_34 = vector.broadcast %broadcast_in_dim3A_33 : f32 to vector<288x128xf32>
    %swap3A_35 = arith.constant 0 : index
    %swap3A_36 = arith.constant 0 : index
    %swap3A_37 = vector.load %arg17[%swap3A_35, %swap3A_36] : memref<288x128xf32, #tpu.memory_space<vmem>>, vector<288x128xf32>
    tpu.vector_store %arg17[%swap3A_35, %swap3A_36], %broadcast_in_dim3A_34 {strides = array<i32>} : memref<288x128xf32, #tpu.memory_space<vmem>>, vector<288x128xf32>,
    %broadcast_in_dim3A_38 = arith.constant 0.000000e+00 : f32
    %broadcast_in_dim3A_39 = vector.broadcast %broadcast_in_dim3A_38 : f32 to vector<288x128xf32>
    %swap3A_40 = arith.constant 0 : index
    %swap3A_41 = arith.constant 0 : index
    %swap3A_42 = vector.load %arg18[%swap3A_40, %swap3A_41] : memref<288x128xf32, #tpu.memory_space<vmem>>, vector<288x128xf32>
    tpu.vector_store %arg18[%swap3A_40, %swap3A_41], %broadcast_in_dim3A_39 {strides = array<i32>} : memref<288x128xf32, #tpu.memory_space<vmem>>, vector<288x128xf32>,
    %broadcast_in_dim3A_43 = arith.constant 0.000000e+00 : f32
    %broadcast_in_dim3A_44 = vector.broadcast %broadcast_in_dim3A_43 : f32 to vector<288x128xf32>
    %swap3A_45 = arith.constant 0 : index
    %swap3A_46 = arith.constant 0 : index
    %swap3A_47 = vector.load %arg19[%swap3A_45, %swap3A_46] : memref<288x128xf32, #tpu.memory_space<vmem>>, vector<288x128xf32>
    tpu.vector_store %arg19[%swap3A_45, %swap3A_46], %broadcast_in_dim3A_44 {strides = array<i32>} : memref<288x128xf32, #tpu.memory_space<vmem>>, vector<288x128xf32>,
    %broadcast_in_dim3A_48 = arith.constant 0.000000e+00 : f32
    %broadcast_in_dim3A_49 = vector.broadcast %broadcast_in_dim3A_48 : f32 to vector<288x128xf32>
    %swap3A_50 = arith.constant 0 : index
    %swap3A_51 = arith.constant 0 : index
    %swap3A_52 = vector.load %arg20[%swap3A_50, %swap3A_51] : memref<288x128xf32, #tpu.memory_space<vmem>>, vector<288x128xf32>
    tpu.vector_store %arg20[%swap3A_50, %swap3A_51], %broadcast_in_dim3A_49 {strides = array<i32>} : memref<288x128xf32, #tpu.memory_space<vmem>>, vector<288x128xf32>,
    %scan3A = arith.constant 0 : i32
    %scan3A_53 = arith.constant 25 : i32
    %scan3A_54 = arith.addi %scan3A, %scan3A_53 : i32
    %scan3A_55 = arith.constant 1 : i32
    scf.for %scan3A_389 = %scan3A to %scan3A_54 step %scan3A_55  : i32 {
      %mul3A_390 = arith.constant 4 : i32
      %mul3A_391 = arith.muli %scan3A_389, %mul3A_390 : i32
      %add3A_392 = arith.constant 0 : i32
      %add3A_393 = arith.addi %mul3A_391, %add3A_392 : i32
      %get3A_394 = arith.index_cast %add3A_393 : i32 to index
      %get3A_395 = arith.constant 0 : index
      %get3A_396 = memref.load %arg0[%get3A_394, %get3A_395] : memref<100x4xf32, #tpu.memory_space<smem>>
      %get3A_397 = arith.index_cast %add3A_393 : i32 to index
      %get3A_398 = arith.constant 1 : index
      %get3A_399 = memref.load %arg0[%get3A_397, %get3A_398] : memref<100x4xf32, #tpu.memory_space<smem>>
      %get3A_400 = arith.index_cast %add3A_393 : i32 to index
      %get3A_401 = arith.constant 2 : index
      %get3A_402 = memref.load %arg0[%get3A_400, %get3A_401] : memref<100x4xf32, #tpu.memory_space<smem>>
      %get3A_403 = arith.index_cast %add3A_393 : i32 to index
      %get3A_404 = arith.constant 3 : index
      %get3A_405 = memref.load %arg0[%get3A_403, %get3A_404] : memref<100x4xf32, #tpu.memory_space<smem>>
      %sub3A_406 = arith.subf %get3A_402, %get3A_396 : f32
      %add3A_407 = arith.constant 1.000000e+00 : f32
      %add3A_408 = arith.addf %sub3A_406, %add3A_407 : f32
      %sub3A_409 = arith.subf %get3A_405, %get3A_399 : f32
      %add3A_410 = arith.constant 1.000000e+00 : f32
      %add3A_411 = arith.addf %sub3A_409, %add3A_410 : f32
      %mul3A_412 = arith.mulf %add3A_408, %add3A_411 : f32
      %min3A_413 = vector.broadcast %get3A_402 : f32 to vector<288x128xf32>
      %min3A_414 = arith.minimumf %get3A_7, %min3A_413 : vector<288x128xf32>
      %max3A = vector.broadcast %get3A_396 : f32 to vector<288x128xf32>
      %max3A_415 = arith.maximumf %get3A_1, %max3A : vector<288x128xf32>
      %sub3A_416 = arith.subf %min3A_414, %max3A_415 : vector<288x128xf32>
      %add3A_417 = arith.constant 1.000000e+00 : f32
      %add3A_418 = vector.broadcast %add3A_417 : f32 to vector<288x128xf32>
      %add3A_419 = arith.addf %sub3A_416, %add3A_418 : vector<288x128xf32>
      %max3A_420 = arith.constant 0.000000e+00 : f32
      %max3A_421 = vector.broadcast %max3A_420 : f32 to vector<288x128xf32>
      %max3A_422 = arith.maximumf %add3A_419, %max3A_421 : vector<288x128xf32>
      %min3A_423 = vector.broadcast %get3A_405 : f32 to vector<288x128xf32>
      %min3A_424 = arith.minimumf %get3A_10, %min3A_423 : vector<288x128xf32>
      %max3A_425 = vector.broadcast %get3A_399 : f32 to vector<288x128xf32>
      %max3A_426 = arith.maximumf %get3A_4, %max3A_425 : vector<288x128xf32>
      %sub3A_427 = arith.subf %min3A_424, %max3A_426 : vector<288x128xf32>
      %add3A_428 = arith.constant 1.000000e+00 : f32
      %add3A_429 = vector.broadcast %add3A_428 : f32 to vector<288x128xf32>
      %add3A_430 = arith.addf %sub3A_427, %add3A_429 : vector<288x128xf32>
      %max3A_431 = arith.constant 0.000000e+00 : f32
      %max3A_432 = vector.broadcast %max3A_431 : f32 to vector<288x128xf32>
      %max3A_433 = arith.maximumf %add3A_430, %max3A_432 : vector<288x128xf32>
      %mul3A_434 = arith.mulf %max3A_422, %max3A_433 : vector<288x128xf32>
      %add3A_435 = vector.broadcast %mul3A_412 : f32 to vector<288x128xf32>
      %add3A_436 = arith.addf %mul3A, %add3A_435 : vector<288x128xf32>
      %sub3A_437 = arith.subf %add3A_436, %mul3A_434 : vector<288x128xf32>
      %div3A_438 = arith.divf %mul3A_434, %sub3A_437 : vector<288x128xf32>
      %mul3A_439 = arith.constant 4 : i32
      %mul3A_440 = arith.muli %scan3A_389, %mul3A_439 : i32
      %add3A_441 = arith.constant 1 : i32
      %add3A_442 = arith.addi %mul3A_440, %add3A_441 : i32
      %get3A_443 = arith.index_cast %add3A_442 : i32 to index
      %get3A_444 = arith.constant 0 : index
      %get3A_445 = memref.load %arg0[%get3A_443, %get3A_444] : memref<100x4xf32, #tpu.memory_space<smem>>
      %get3A_446 = arith.index_cast %add3A_442 : i32 to index
      %get3A_447 = arith.constant 1 : index
      %get3A_448 = memref.load %arg0[%get3A_446, %get3A_447] : memref<100x4xf32, #tpu.memory_space<smem>>
      %get3A_449 = arith.index_cast %add3A_442 : i32 to index
      %get3A_450 = arith.constant 2 : index
      %get3A_451 = memref.load %arg0[%get3A_449, %get3A_450] : memref<100x4xf32, #tpu.memory_space<smem>>
      %get3A_452 = arith.index_cast %add3A_442 : i32 to index
      %get3A_453 = arith.constant 3 : index
      %get3A_454 = memref.load %arg0[%get3A_452, %get3A_453] : memref<100x4xf32, #tpu.memory_space<smem>>
      %sub3A_455 = arith.subf %get3A_451, %get3A_445 : f32
      %add3A_456 = arith.constant 1.000000e+00 : f32
      %add3A_457 = arith.addf %sub3A_455, %add3A_456 : f32
      %sub3A_458 = arith.subf %get3A_454, %get3A_448 : f32
      %add3A_459 = arith.constant 1.000000e+00 : f32
      %add3A_460 = arith.addf %sub3A_458, %add3A_459 : f32
      %mul3A_461 = arith.mulf %add3A_457, %add3A_460 : f32
      %min3A_462 = vector.broadcast %get3A_451 : f32 to vector<288x128xf32>
      %min3A_463 = arith.minimumf %get3A_7, %min3A_462 : vector<288x128xf32>
      %max3A_464 = vector.broadcast %get3A_445 : f32 to vector<288x128xf32>
      %max3A_465 = arith.maximumf %get3A_1, %max3A_464 : vector<288x128xf32>
      %sub3A_466 = arith.subf %min3A_463, %max3A_465 : vector<288x128xf32>
      %add3A_467 = arith.constant 1.000000e+00 : f32
      %add3A_468 = vector.broadcast %add3A_467 : f32 to vector<288x128xf32>
      %add3A_469 = arith.addf %sub3A_466, %add3A_468 : vector<288x128xf32>
      %max3A_470 = arith.constant 0.000000e+00 : f32
      %max3A_471 = vector.broadcast %max3A_470 : f32 to vector<288x128xf32>
      %max3A_472 = arith.maximumf %add3A_469, %max3A_471 : vector<288x128xf32>
      %min3A_473 = vector.broadcast %get3A_454 : f32 to vector<288x128xf32>
      %min3A_474 = arith.minimumf %get3A_10, %min3A_473 : vector<288x128xf32>
      %max3A_475 = vector.broadcast %get3A_448 : f32 to vector<288x128xf32>
      %max3A_476 = arith.maximumf %get3A_4, %max3A_475 : vector<288x128xf32>
      %sub3A_477 = arith.subf %min3A_474, %max3A_476 : vector<288x128xf32>
      %add3A_478 = arith.constant 1.000000e+00 : f32
      %add3A_479 = vector.broadcast %add3A_478 : f32 to vector<288x128xf32>
      %add3A_480 = arith.addf %sub3A_477, %add3A_479 : vector<288x128xf32>
      %max3A_481 = arith.constant 0.000000e+00 : f32
      %max3A_482 = vector.broadcast %max3A_481 : f32 to vector<288x128xf32>
      %max3A_483 = arith.maximumf %add3A_480, %max3A_482 : vector<288x128xf32>
      %mul3A_484 = arith.mulf %max3A_472, %max3A_483 : vector<288x128xf32>
      %add3A_485 = vector.broadcast %mul3A_461 : f32 to vector<288x128xf32>
      %add3A_486 = arith.addf %mul3A, %add3A_485 : vector<288x128xf32>
      %sub3A_487 = arith.subf %add3A_486, %mul3A_484 : vector<288x128xf32>
      %div3A_488 = arith.divf %mul3A_484, %sub3A_487 : vector<288x128xf32>
      %mul3A_489 = arith.constant 4 : i32
      %mul3A_490 = arith.muli %scan3A_389, %mul3A_489 : i32
      %add3A_491 = arith.constant 2 : i32
      %add3A_492 = arith.addi %mul3A_490, %add3A_491 : i32
      %get3A_493 = arith.index_cast %add3A_492 : i32 to index
      %get3A_494 = arith.constant 0 : index
      %get3A_495 = memref.load %arg0[%get3A_493, %get3A_494] : memref<100x4xf32, #tpu.memory_space<smem>>
      %get3A_496 = arith.index_cast %add3A_492 : i32 to index
      %get3A_497 = arith.constant 1 : index
      %get3A_498 = memref.load %arg0[%get3A_496, %get3A_497] : memref<100x4xf32, #tpu.memory_space<smem>>
      %get3A_499 = arith.index_cast %add3A_492 : i32 to index
      %get3A_500 = arith.constant 2 : index
      %get3A_501 = memref.load %arg0[%get3A_499, %get3A_500] : memref<100x4xf32, #tpu.memory_space<smem>>
      %get3A_502 = arith.index_cast %add3A_492 : i32 to index
      %get3A_503 = arith.constant 3 : index
      %get3A_504 = memref.load %arg0[%get3A_502, %get3A_503] : memref<100x4xf32, #tpu.memory_space<smem>>
      %sub3A_505 = arith.subf %get3A_501, %get3A_495 : f32
      %add3A_506 = arith.constant 1.000000e+00 : f32
      %add3A_507 = arith.addf %sub3A_505, %add3A_506 : f32
      %sub3A_508 = arith.subf %get3A_504, %get3A_498 : f32
      %add3A_509 = arith.constant 1.000000e+00 : f32
      %add3A_510 = arith.addf %sub3A_508, %add3A_509 : f32
      %mul3A_511 = arith.mulf %add3A_507, %add3A_510 : f32
      %min3A_512 = vector.broadcast %get3A_501 : f32 to vector<288x128xf32>
      %min3A_513 = arith.minimumf %get3A_7, %min3A_512 : vector<288x128xf32>
      %max3A_514 = vector.broadcast %get3A_495 : f32 to vector<288x128xf32>
      %max3A_515 = arith.maximumf %get3A_1, %max3A_514 : vector<288x128xf32>
      %sub3A_516 = arith.subf %min3A_513, %max3A_515 : vector<288x128xf32>
      %add3A_517 = arith.constant 1.000000e+00 : f32
      %add3A_518 = vector.broadcast %add3A_517 : f32 to vector<288x128xf32>
      %add3A_519 = arith.addf %sub3A_516, %add3A_518 : vector<288x128xf32>
      %max3A_520 = arith.constant 0.000000e+00 : f32
      %max3A_521 = vector.broadcast %max3A_520 : f32 to vector<288x128xf32>
      %max3A_522 = arith.maximumf %add3A_519, %max3A_521 : vector<288x128xf32>
      %min3A_523 = vector.broadcast %get3A_504 : f32 to vector<288x128xf32>
      %min3A_524 = arith.minimumf %get3A_10, %min3A_523 : vector<288x128xf32>
      %max3A_525 = vector.broadcast %get3A_498 : f32 to vector<288x128xf32>
      %max3A_526 = arith.maximumf %get3A_4, %max3A_525 : vector<288x128xf32>
      %sub3A_527 = arith.subf %min3A_524, %max3A_526 : vector<288x128xf32>
      %add3A_528 = arith.constant 1.000000e+00 : f32
      %add3A_529 = vector.broadcast %add3A_528 : f32 to vector<288x128xf32>
      %add3A_530 = arith.addf %sub3A_527, %add3A_529 : vector<288x128xf32>
      %max3A_531 = arith.constant 0.000000e+00 : f32
      %max3A_532 = vector.broadcast %max3A_531 : f32 to vector<288x128xf32>
      %max3A_533 = arith.maximumf %add3A_530, %max3A_532 : vector<288x128xf32>
      %mul3A_534 = arith.mulf %max3A_522, %max3A_533 : vector<288x128xf32>
      %add3A_535 = vector.broadcast %mul3A_511 : f32 to vector<288x128xf32>
      %add3A_536 = arith.addf %mul3A, %add3A_535 : vector<288x128xf32>
      %sub3A_537 = arith.subf %add3A_536, %mul3A_534 : vector<288x128xf32>
      %div3A_538 = arith.divf %mul3A_534, %sub3A_537 : vector<288x128xf32>
      %mul3A_539 = arith.constant 4 : i32
      %mul3A_540 = arith.muli %scan3A_389, %mul3A_539 : i32
      %add3A_541 = arith.constant 3 : i32
      %add3A_542 = arith.addi %mul3A_540, %add3A_541 : i32
      %get3A_543 = arith.index_cast %add3A_542 : i32 to index
      %get3A_544 = arith.constant 0 : index
      %get3A_545 = memref.load %arg0[%get3A_543, %get3A_544] : memref<100x4xf32, #tpu.memory_space<smem>>
      %get3A_546 = arith.index_cast %add3A_542 : i32 to index
      %get3A_547 = arith.constant 1 : index
      %get3A_548 = memref.load %arg0[%get3A_546, %get3A_547] : memref<100x4xf32, #tpu.memory_space<smem>>
      %get3A_549 = arith.index_cast %add3A_542 : i32 to index
      %get3A_550 = arith.constant 2 : index
      %get3A_551 = memref.load %arg0[%get3A_549, %get3A_550] : memref<100x4xf32, #tpu.memory_space<smem>>
      %get3A_552 = arith.index_cast %add3A_542 : i32 to index
      %get3A_553 = arith.constant 3 : index
      %get3A_554 = memref.load %arg0[%get3A_552, %get3A_553] : memref<100x4xf32, #tpu.memory_space<smem>>
      %sub3A_555 = arith.subf %get3A_551, %get3A_545 : f32
      %add3A_556 = arith.constant 1.000000e+00 : f32
      %add3A_557 = arith.addf %sub3A_555, %add3A_556 : f32
      %sub3A_558 = arith.subf %get3A_554, %get3A_548 : f32
      %add3A_559 = arith.constant 1.000000e+00 : f32
      %add3A_560 = arith.addf %sub3A_558, %add3A_559 : f32
      %mul3A_561 = arith.mulf %add3A_557, %add3A_560 : f32
      %min3A_562 = vector.broadcast %get3A_551 : f32 to vector<288x128xf32>
      %min3A_563 = arith.minimumf %get3A_7, %min3A_562 : vector<288x128xf32>
      %max3A_564 = vector.broadcast %get3A_545 : f32 to vector<288x128xf32>
      %max3A_565 = arith.maximumf %get3A_1, %max3A_564 : vector<288x128xf32>
      %sub3A_566 = arith.subf %min3A_563, %max3A_565 : vector<288x128xf32>
      %add3A_567 = arith.constant 1.000000e+00 : f32
      %add3A_568 = vector.broadcast %add3A_567 : f32 to vector<288x128xf32>
      %add3A_569 = arith.addf %sub3A_566, %add3A_568 : vector<288x128xf32>
      %max3A_570 = arith.constant 0.000000e+00 : f32
      %max3A_571 = vector.broadcast %max3A_570 : f32 to vector<288x128xf32>
      %max3A_572 = arith.maximumf %add3A_569, %max3A_571 : vector<288x128xf32>
      %min3A_573 = vector.broadcast %get3A_554 : f32 to vector<288x128xf32>
      %min3A_574 = arith.minimumf %get3A_10, %min3A_573 : vector<288x128xf32>
      %max3A_575 = vector.broadcast %get3A_548 : f32 to vector<288x128xf32>
      %max3A_576 = arith.maximumf %get3A_4, %max3A_575 : vector<288x128xf32>
      %sub3A_577 = arith.subf %min3A_574, %max3A_576 : vector<288x128xf32>
      %add3A_578 = arith.constant 1.000000e+00 : f32
      %add3A_579 = vector.broadcast %add3A_578 : f32 to vector<288x128xf32>
      %add3A_580 = arith.addf %sub3A_577, %add3A_579 : vector<288x128xf32>
      %max3A_581 = arith.constant 0.000000e+00 : f32
      %max3A_582 = vector.broadcast %max3A_581 : f32 to vector<288x128xf32>
      %max3A_583 = arith.maximumf %add3A_580, %max3A_582 : vector<288x128xf32>
      %mul3A_584 = arith.mulf %max3A_572, %max3A_583 : vector<288x128xf32>
      %add3A_585 = vector.broadcast %mul3A_561 : f32 to vector<288x128xf32>
      %add3A_586 = arith.addf %mul3A, %add3A_585 : vector<288x128xf32>
      %sub3A_587 = arith.subf %add3A_586, %mul3A_584 : vector<288x128xf32>
      %div3A_588 = arith.divf %mul3A_584, %sub3A_587 : vector<288x128xf32>
      %gt3A_589 = arith.cmpf ogt, %div3A_488, %div3A_438 : vector<288x128xf32>
      %select_n3A_590 = arith.select %gt3A_589, %div3A_488, %div3A_438 : vector<288x128xi1>, vector<288x128xf32>
      %broadcast_in_dim3A_591 = vector.broadcast %get3A_445 : f32 to vector<288x128xf32>
      %broadcast_in_dim3A_592 = vector.broadcast %get3A_396 : f32 to vector<288x128xf32>
      %select_n3A_593 = arith.select %gt3A_589, %broadcast_in_dim3A_591, %broadcast_in_dim3A_592 : vector<288x128xi1>, vector<288x128xf32>
      %broadcast_in_dim3A_594 = vector.broadcast %get3A_448 : f32 to vector<288x128xf32>
      %broadcast_in_dim3A_595 = vector.broadcast %get3A_399 : f32 to vector<288x128xf32>
      %select_n3A_596 = arith.select %gt3A_589, %broadcast_in_dim3A_594, %broadcast_in_dim3A_595 : vector<288x128xi1>, vector<288x128xf32>
      %broadcast_in_dim3A_597 = vector.broadcast %get3A_451 : f32 to vector<288x128xf32>
      %broadcast_in_dim3A_598 = vector.broadcast %get3A_402 : f32 to vector<288x128xf32>
      %select_n3A_599 = arith.select %gt3A_589, %broadcast_in_dim3A_597, %broadcast_in_dim3A_598 : vector<288x128xi1>, vector<288x128xf32>
      %broadcast_in_dim3A_600 = vector.broadcast %get3A_454 : f32 to vector<288x128xf32>
      %broadcast_in_dim3A_601 = vector.broadcast %get3A_405 : f32 to vector<288x128xf32>
      %select_n3A_602 = arith.select %gt3A_589, %broadcast_in_dim3A_600, %broadcast_in_dim3A_601 : vector<288x128xi1>, vector<288x128xf32>
      %gt3A_603 = arith.cmpf ogt, %div3A_538, %select_n3A_590 : vector<288x128xf32>
      %select_n3A_604 = arith.select %gt3A_603, %div3A_538, %select_n3A_590 : vector<288x128xi1>, vector<288x128xf32>
      %broadcast_in_dim3A_605 = vector.broadcast %get3A_495 : f32 to vector<288x128xf32>
      %select_n3A_606 = arith.select %gt3A_603, %broadcast_in_dim3A_605, %select_n3A_593 : vector<288x128xi1>, vector<288x128xf32>
      %broadcast_in_dim3A_607 = vector.broadcast %get3A_498 : f32 to vector<288x128xf32>
      %select_n3A_608 = arith.select %gt3A_603, %broadcast_in_dim3A_607, %select_n3A_596 : vector<288x128xi1>, vector<288x128xf32>
      %broadcast_in_dim3A_609 = vector.broadcast %get3A_501 : f32 to vector<288x128xf32>
      %select_n3A_610 = arith.select %gt3A_603, %broadcast_in_dim3A_609, %select_n3A_599 : vector<288x128xi1>, vector<288x128xf32>
      %broadcast_in_dim3A_611 = vector.broadcast %get3A_504 : f32 to vector<288x128xf32>
      %select_n3A_612 = arith.select %gt3A_603, %broadcast_in_dim3A_611, %select_n3A_602 : vector<288x128xi1>, vector<288x128xf32>
      %gt3A_613 = arith.cmpf ogt, %div3A_588, %select_n3A_604 : vector<288x128xf32>
      %select_n3A_614 = arith.select %gt3A_613, %div3A_588, %select_n3A_604 : vector<288x128xi1>, vector<288x128xf32>
      %broadcast_in_dim3A_615 = vector.broadcast %get3A_545 : f32 to vector<288x128xf32>
      %select_n3A_616 = arith.select %gt3A_613, %broadcast_in_dim3A_615, %select_n3A_606 : vector<288x128xi1>, vector<288x128xf32>
      %broadcast_in_dim3A_617 = vector.broadcast %get3A_548 : f32 to vector<288x128xf32>
      %select_n3A_618 = arith.select %gt3A_613, %broadcast_in_dim3A_617, %select_n3A_608 : vector<288x128xi1>, vector<288x128xf32>
      %broadcast_in_dim3A_619 = vector.broadcast %get3A_551 : f32 to vector<288x128xf32>
      %select_n3A_620 = arith.select %gt3A_613, %broadcast_in_dim3A_619, %select_n3A_610 : vector<288x128xi1>, vector<288x128xf32>
      %broadcast_in_dim3A_621 = vector.broadcast %get3A_554 : f32 to vector<288x128xf32>
      %select_n3A_622 = arith.select %gt3A_613, %broadcast_in_dim3A_621, %select_n3A_612 : vector<288x128xi1>, vector<288x128xf32>
      %get3A_623 = arith.constant 0 : index
      %get3A_624 = arith.constant 0 : index
      %get3A_625 = vector.load %arg16[%get3A_623, %get3A_624] : memref<288x128xf32, #tpu.memory_space<vmem>>, vector<288x128xf32>
      %gt3A_626 = arith.cmpf ogt, %select_n3A_614, %get3A_625 : vector<288x128xf32>
      %select_n3A_627 = arith.select %gt3A_626, %select_n3A_614, %get3A_625 : vector<288x128xi1>, vector<288x128xf32>
      %swap3A_628 = arith.constant 0 : index
      %swap3A_629 = arith.constant 0 : index
      %swap3A_630 = vector.load %arg16[%swap3A_628, %swap3A_629] : memref<288x128xf32, #tpu.memory_space<vmem>>, vector<288x128xf32>
      tpu.vector_store %arg16[%swap3A_628, %swap3A_629], %select_n3A_627 {strides = array<i32>} : memref<288x128xf32, #tpu.memory_space<vmem>>, vector<288x128xf32>,
      %get3A_631 = arith.constant 0 : index
      %get3A_632 = arith.constant 0 : index
      %get3A_633 = vector.load %arg17[%get3A_631, %get3A_632] : memref<288x128xf32, #tpu.memory_space<vmem>>, vector<288x128xf32>
      %select_n3A_634 = arith.select %gt3A_626, %select_n3A_616, %get3A_633 : vector<288x128xi1>, vector<288x128xf32>
      %swap3A_635 = arith.constant 0 : index
      %swap3A_636 = arith.constant 0 : index
      %swap3A_637 = vector.load %arg17[%swap3A_635, %swap3A_636] : memref<288x128xf32, #tpu.memory_space<vmem>>, vector<288x128xf32>
      tpu.vector_store %arg17[%swap3A_635, %swap3A_636], %select_n3A_634 {strides = array<i32>} : memref<288x128xf32, #tpu.memory_space<vmem>>, vector<288x128xf32>,
      %get3A_638 = arith.constant 0 : index
      %get3A_639 = arith.constant 0 : index
      %get3A_640 = vector.load %arg18[%get3A_638, %get3A_639] : memref<288x128xf32, #tpu.memory_space<vmem>>, vector<288x128xf32>
      %select_n3A_641 = arith.select %gt3A_626, %select_n3A_618, %get3A_640 : vector<288x128xi1>, vector<288x128xf32>
      %swap3A_642 = arith.constant 0 : index
      %swap3A_643 = arith.constant 0 : index
      %swap3A_644 = vector.load %arg18[%swap3A_642, %swap3A_643] : memref<288x128xf32, #tpu.memory_space<vmem>>, vector<288x128xf32>
      tpu.vector_store %arg18[%swap3A_642, %swap3A_643], %select_n3A_641 {strides = array<i32>} : memref<288x128xf32, #tpu.memory_space<vmem>>, vector<288x128xf32>,
      %get3A_645 = arith.constant 0 : index
      %get3A_646 = arith.constant 0 : index
      %get3A_647 = vector.load %arg19[%get3A_645, %get3A_646] : memref<288x128xf32, #tpu.memory_space<vmem>>, vector<288x128xf32>
      %select_n3A_648 = arith.select %gt3A_626, %select_n3A_620, %get3A_647 : vector<288x128xi1>, vector<288x128xf32>
      %swap3A_649 = arith.constant 0 : index
      %swap3A_650 = arith.constant 0 : index
      %swap3A_651 = vector.load %arg19[%swap3A_649, %swap3A_650] : memref<288x128xf32, #tpu.memory_space<vmem>>, vector<288x128xf32>
      tpu.vector_store %arg19[%swap3A_649, %swap3A_650], %select_n3A_648 {strides = array<i32>} : memref<288x128xf32, #tpu.memory_space<vmem>>, vector<288x128xf32>,
      %get3A_652 = arith.constant 0 : index
      %get3A_653 = arith.constant 0 : index
      %get3A_654 = vector.load %arg20[%get3A_652, %get3A_653] : memref<288x128xf32, #tpu.memory_space<vmem>>, vector<288x128xf32>
      %select_n3A_655 = arith.select %gt3A_626, %select_n3A_622, %get3A_654 : vector<288x128xi1>, vector<288x128xf32>
      %swap3A_656 = arith.constant 0 : index
      %swap3A_657 = arith.constant 0 : index
      %swap3A_658 = vector.load %arg20[%swap3A_656, %swap3A_657] : memref<288x128xf32, #tpu.memory_space<vmem>>, vector<288x128xf32>
      tpu.vector_store %arg20[%swap3A_656, %swap3A_657], %select_n3A_655 {strides = array<i32>} : memref<288x128xf32, #tpu.memory_space<vmem>>, vector<288x128xf32>,
      %broadcast_in_dim3A_659 = arith.constant false
      %broadcast_in_dim3A_660 = vector.broadcast %broadcast_in_dim3A_659 : i1 to vector<288x128xi1>
      %gt3A_661 = arith.constant 0.000000e+00 : f32
      %gt3A_662 = vector.broadcast %gt3A_661 : f32 to vector<288x128xf32>
      %gt3A_663 = arith.cmpf ogt, %get3A_13, %gt3A_662 : vector<288x128xf32>
      %jit3A_664 = arith.constant -1.000000e+00 : f32
      %broadcast_in_dim3A_665 = vector.broadcast %jit3A_664 : f32 to vector<288x128xf32>
      %select_n3A_666 = arith.select %gt3A_663, %div3A_438, %broadcast_in_dim3A_665 : vector<288x128xi1>, vector<288x128xf32>
      %reduce_max3A = vector.shape_cast %select_n3A_666 : vector<288x128xf32> to vector<1x288x128xf32>
      %reduce_max3A_667 = arith.constant dense<0xFF800000> : vector<1xf32>
      %reduce_max3A_668 = vector.multi_reduction <maximumf>, %reduce_max3A, %reduce_max3A_667 [1, 2] : vector<1x288x128xf32> to vector<1xf32>
      %reduce_max3A_669 = vector.shape_cast %reduce_max3A_668 : vector<1xf32> to vector<1x1x1xf32>
      %reduce_max3A_670 = vector.extract %reduce_max3A_669[0, 0, 0] : f32 from vector<1x1x1xf32>
      %eq3A_671 = vector.broadcast %reduce_max3A_670 : f32 to vector<288x128xf32>
      %eq3A_672 = arith.cmpf oeq, %select_n3A_666, %eq3A_671 : vector<288x128xf32>
      %jit3A_673 = arith.constant 36865 : i32
      %broadcast_in_dim3A_674 = vector.broadcast %jit3A_673 : i32 to vector<288x128xi32>
      %select_n3A_675 = arith.select %eq3A_672, %add3A_24, %broadcast_in_dim3A_674 : vector<288x128xi1>, vector<288x128xi32>
      %reduce_min3A = vector.shape_cast %select_n3A_675 : vector<288x128xi32> to vector<1x288x128xi32>
      %reduce_min3A_676 = arith.constant dense<2147483647> : vector<1xi32>
      %reduce_min3A_677 = vector.multi_reduction <minsi>, %reduce_min3A, %reduce_min3A_676 [1, 2] : vector<1x288x128xi32> to vector<1xi32>
      %reduce_min3A_678 = vector.shape_cast %reduce_min3A_677 : vector<1xi32> to vector<1x1x1xi32>
      %reduce_min3A_679 = vector.extract %reduce_min3A_678[0, 0, 0] : i32 from vector<1x1x1xi32>
      %eq3A_680 = vector.broadcast %reduce_min3A_679 : i32 to vector<288x128xi32>
      %eq3A_681 = arith.cmpi eq, %add3A_24, %eq3A_680 : vector<288x128xi32>
      %or3A = arith.ori %broadcast_in_dim3A_660, %eq3A_681 : vector<288x128xi1>
      %gt3A_682 = arith.constant 0.000000e+00 : f32
      %gt3A_683 = vector.broadcast %gt3A_682 : f32 to vector<288x128xf32>
      %gt3A_684 = arith.cmpf ogt, %get3A_13, %gt3A_683 : vector<288x128xf32>
      %jit3A_685 = arith.constant -1.000000e+00 : f32
      %broadcast_in_dim3A_686 = vector.broadcast %jit3A_685 : f32 to vector<288x128xf32>
      %select_n3A_687 = arith.select %gt3A_684, %div3A_488, %broadcast_in_dim3A_686 : vector<288x128xi1>, vector<288x128xf32>
      %reduce_max3A_688 = vector.shape_cast %select_n3A_687 : vector<288x128xf32> to vector<1x288x128xf32>
      %reduce_max3A_689 = arith.constant dense<0xFF800000> : vector<1xf32>
      %reduce_max3A_690 = vector.multi_reduction <maximumf>, %reduce_max3A_688, %reduce_max3A_689 [1, 2] : vector<1x288x128xf32> to vector<1xf32>
      %reduce_max3A_691 = vector.shape_cast %reduce_max3A_690 : vector<1xf32> to vector<1x1x1xf32>
      %reduce_max3A_692 = vector.extract %reduce_max3A_691[0, 0, 0] : f32 from vector<1x1x1xf32>
      %eq3A_693 = vector.broadcast %reduce_max3A_692 : f32 to vector<288x128xf32>
      %eq3A_694 = arith.cmpf oeq, %select_n3A_687, %eq3A_693 : vector<288x128xf32>
      %jit3A_695 = arith.constant 36865 : i32
      %broadcast_in_dim3A_696 = vector.broadcast %jit3A_695 : i32 to vector<288x128xi32>
      %select_n3A_697 = arith.select %eq3A_694, %add3A_24, %broadcast_in_dim3A_696 : vector<288x128xi1>, vector<288x128xi32>
      %reduce_min3A_698 = vector.shape_cast %select_n3A_697 : vector<288x128xi32> to vector<1x288x128xi32>
      %reduce_min3A_699 = arith.constant dense<2147483647> : vector<1xi32>
      %reduce_min3A_700 = vector.multi_reduction <minsi>, %reduce_min3A_698, %reduce_min3A_699 [1, 2] : vector<1x288x128xi32> to vector<1xi32>
      %reduce_min3A_701 = vector.shape_cast %reduce_min3A_700 : vector<1xi32> to vector<1x1x1xi32>
      %reduce_min3A_702 = vector.extract %reduce_min3A_701[0, 0, 0] : i32 from vector<1x1x1xi32>
      %eq3A_703 = vector.broadcast %reduce_min3A_702 : i32 to vector<288x128xi32>
      %eq3A_704 = arith.cmpi eq, %add3A_24, %eq3A_703 : vector<288x128xi32>
      %or3A_705 = arith.ori %or3A, %eq3A_704 : vector<288x128xi1>
      %gt3A_706 = arith.constant 0.000000e+00 : f32
      %gt3A_707 = vector.broadcast %gt3A_706 : f32 to vector<288x128xf32>
      %gt3A_708 = arith.cmpf ogt, %get3A_13, %gt3A_707 : vector<288x128xf32>
      %jit3A_709 = arith.constant -1.000000e+00 : f32
      %broadcast_in_dim3A_710 = vector.broadcast %jit3A_709 : f32 to vector<288x128xf32>
      %select_n3A_711 = arith.select %gt3A_708, %div3A_538, %broadcast_in_dim3A_710 : vector<288x128xi1>, vector<288x128xf32>
      %reduce_max3A_712 = vector.shape_cast %select_n3A_711 : vector<288x128xf32> to vector<1x288x128xf32>
      %reduce_max3A_713 = arith.constant dense<0xFF800000> : vector<1xf32>
      %reduce_max3A_714 = vector.multi_reduction <maximumf>, %reduce_max3A_712, %reduce_max3A_713 [1, 2] : vector<1x288x128xf32> to vector<1xf32>
      %reduce_max3A_715 = vector.shape_cast %reduce_max3A_714 : vector<1xf32> to vector<1x1x1xf32>
      %reduce_max3A_716 = vector.extract %reduce_max3A_715[0, 0, 0] : f32 from vector<1x1x1xf32>
      %eq3A_717 = vector.broadcast %reduce_max3A_716 : f32 to vector<288x128xf32>
      %eq3A_718 = arith.cmpf oeq, %select_n3A_711, %eq3A_717 : vector<288x128xf32>
      %jit3A_719 = arith.constant 36865 : i32
      %broadcast_in_dim3A_720 = vector.broadcast %jit3A_719 : i32 to vector<288x128xi32>
      %select_n3A_721 = arith.select %eq3A_718, %add3A_24, %broadcast_in_dim3A_720 : vector<288x128xi1>, vector<288x128xi32>
      %reduce_min3A_722 = vector.shape_cast %select_n3A_721 : vector<288x128xi32> to vector<1x288x128xi32>
      %reduce_min3A_723 = arith.constant dense<2147483647> : vector<1xi32>
      %reduce_min3A_724 = vector.multi_reduction <minsi>, %reduce_min3A_722, %reduce_min3A_723 [1, 2] : vector<1x288x128xi32> to vector<1xi32>
      %reduce_min3A_725 = vector.shape_cast %reduce_min3A_724 : vector<1xi32> to vector<1x1x1xi32>
      %reduce_min3A_726 = vector.extract %reduce_min3A_725[0, 0, 0] : i32 from vector<1x1x1xi32>
      %eq3A_727 = vector.broadcast %reduce_min3A_726 : i32 to vector<288x128xi32>
      %eq3A_728 = arith.cmpi eq, %add3A_24, %eq3A_727 : vector<288x128xi32>
      %or3A_729 = arith.ori %or3A_705, %eq3A_728 : vector<288x128xi1>
      %gt3A_730 = arith.constant 0.000000e+00 : f32
      %gt3A_731 = vector.broadcast %gt3A_730 : f32 to vector<288x128xf32>
      %gt3A_732 = arith.cmpf ogt, %get3A_13, %gt3A_731 : vector<288x128xf32>
      %jit3A_733 = arith.constant -1.000000e+00 : f32
      %broadcast_in_dim3A_734 = vector.broadcast %jit3A_733 : f32 to vector<288x128xf32>
      %select_n3A_735 = arith.select %gt3A_732, %div3A_588, %broadcast_in_dim3A_734 : vector<288x128xi1>, vector<288x128xf32>
      %reduce_max3A_736 = vector.shape_cast %select_n3A_735 : vector<288x128xf32> to vector<1x288x128xf32>
      %reduce_max3A_737 = arith.constant dense<0xFF800000> : vector<1xf32>
      %reduce_max3A_738 = vector.multi_reduction <maximumf>, %reduce_max3A_736, %reduce_max3A_737 [1, 2] : vector<1x288x128xf32> to vector<1xf32>
      %reduce_max3A_739 = vector.shape_cast %reduce_max3A_738 : vector<1xf32> to vector<1x1x1xf32>
      %reduce_max3A_740 = vector.extract %reduce_max3A_739[0, 0, 0] : f32 from vector<1x1x1xf32>
      %eq3A_741 = vector.broadcast %reduce_max3A_740 : f32 to vector<288x128xf32>
      %eq3A_742 = arith.cmpf oeq, %select_n3A_735, %eq3A_741 : vector<288x128xf32>
      %jit3A_743 = arith.constant 36865 : i32
      %broadcast_in_dim3A_744 = vector.broadcast %jit3A_743 : i32 to vector<288x128xi32>
      %select_n3A_745 = arith.select %eq3A_742, %add3A_24, %broadcast_in_dim3A_744 : vector<288x128xi1>, vector<288x128xi32>
      %reduce_min3A_746 = vector.shape_cast %select_n3A_745 : vector<288x128xi32> to vector<1x288x128xi32>
      %reduce_min3A_747 = arith.constant dense<2147483647> : vector<1xi32>
      %reduce_min3A_748 = vector.multi_reduction <minsi>, %reduce_min3A_746, %reduce_min3A_747 [1, 2] : vector<1x288x128xi32> to vector<1xi32>
      %reduce_min3A_749 = vector.shape_cast %reduce_min3A_748 : vector<1xi32> to vector<1x1x1xi32>
      %reduce_min3A_750 = vector.extract %reduce_min3A_749[0, 0, 0] : i32 from vector<1x1x1xi32>
      %eq3A_751 = vector.broadcast %reduce_min3A_750 : i32 to vector<288x128xi32>
      %eq3A_752 = arith.cmpi eq, %add3A_24, %eq3A_751 : vector<288x128xi32>
      %or3A_753 = arith.ori %or3A_729, %eq3A_752 : vector<288x128xi1>
      %get3A_754 = arith.constant 0 : index
      %get3A_755 = arith.constant 0 : index
      %get3A_756 = vector.load %arg21[%get3A_754, %get3A_755] : memref<288x128xf32, #tpu.memory_space<vmem>>, vector<288x128xf32>
      %jit3A_757 = arith.constant 1.000000e+00 : f32
      %broadcast_in_dim3A_758 = vector.broadcast %jit3A_757 : f32 to vector<288x128xf32>
      %select_n3A_759 = arith.select %or3A_753, %broadcast_in_dim3A_758, %get3A_756 : vector<288x128xi1>, vector<288x128xf32>
      %swap3A_760 = arith.constant 0 : index
      %swap3A_761 = arith.constant 0 : index
      %swap3A_762 = vector.load %arg21[%swap3A_760, %swap3A_761] : memref<288x128xf32, #tpu.memory_space<vmem>>, vector<288x128xf32>
      tpu.vector_store %arg21[%swap3A_760, %swap3A_761], %select_n3A_759 {strides = array<i32>} : memref<288x128xf32, #tpu.memory_space<vmem>>, vector<288x128xf32>,
    }
    %scan3A_56 = arith.constant 25 : i32
    %get3A_57 = arith.constant 0 : index
    %get3A_58 = arith.constant 0 : index
    %get3A_59 = vector.load %arg16[%get3A_57, %get3A_58] : memref<288x128xf32, #tpu.memory_space<vmem>>, vector<288x128xf32>
    %lt3A = arith.constant 3.000000e-01 : f32
    %lt3A_60 = vector.broadcast %lt3A : f32 to vector<288x128xf32>
    %lt3A_61 = arith.cmpf olt, %get3A_59, %lt3A_60 : vector<288x128xf32>
    %jit3A = arith.constant 0.000000e+00 : f32
    %jit3A_62 = arith.constant -1.000000e+00 : f32
    %broadcast_in_dim3A_63 = vector.broadcast %jit3A : f32 to vector<288x128xf32>
    %broadcast_in_dim3A_64 = vector.broadcast %jit3A_62 : f32 to vector<288x128xf32>
    %select_n3A = arith.select %lt3A_61, %broadcast_in_dim3A_63, %broadcast_in_dim3A_64 : vector<288x128xi1>, vector<288x128xf32>
    %get3A_65 = arith.constant 0 : index
    %get3A_66 = arith.constant 0 : index
    %get3A_67 = vector.load %arg21[%get3A_65, %get3A_66] : memref<288x128xf32, #tpu.memory_space<vmem>>, vector<288x128xf32>
    %gt3A = arith.constant 0.000000e+00 : f32
    %gt3A_68 = vector.broadcast %gt3A : f32 to vector<288x128xf32>
    %gt3A_69 = arith.cmpf ogt, %get3A_67, %gt3A_68 : vector<288x128xf32>
    %jit3A_70 = arith.constant 1.000000e+00 : f32
    %broadcast_in_dim3A_71 = vector.broadcast %jit3A_70 : f32 to vector<288x128xf32>
    %select_n3A_72 = arith.select %gt3A_69, %broadcast_in_dim3A_71, %select_n3A : vector<288x128xi1>, vector<288x128xf32>
    %ge3A = arith.constant 0.699999988 : f32
    %ge3A_73 = vector.broadcast %ge3A : f32 to vector<288x128xf32>
    %ge3A_74 = arith.cmpf oge, %get3A_59, %ge3A_73 : vector<288x128xf32>
    %jit3A_75 = arith.constant 1.000000e+00 : f32
    %broadcast_in_dim3A_76 = vector.broadcast %jit3A_75 : f32 to vector<288x128xf32>
    %select_n3A_77 = arith.select %ge3A_74, %broadcast_in_dim3A_76, %select_n3A_72 : vector<288x128xi1>, vector<288x128xf32>
    %gt3A_78 = arith.constant 0.000000e+00 : f32
    %gt3A_79 = vector.broadcast %gt3A_78 : f32 to vector<288x128xf32>
    %gt3A_80 = arith.cmpf ogt, %get3A_13, %gt3A_79 : vector<288x128xf32>
    %jit3A_81 = arith.constant -1.000000e+00 : f32
    %broadcast_in_dim3A_82 = vector.broadcast %jit3A_81 : f32 to vector<288x128xf32>
    %select_n3A_83 = arith.select %gt3A_80, %select_n3A_77, %broadcast_in_dim3A_82 : vector<288x128xi1>, vector<288x128xf32>
    %swap3A_84 = arith.constant 0 : index
    %swap3A_85 = arith.constant 0 : index
    %swap3A_86 = vector.load %arg10[%swap3A_84, %swap3A_85] : memref<288x128xf32, #tpu.memory_space<vmem>>, vector<288x128xf32>
    tpu.vector_store %arg10[%swap3A_84, %swap3A_85], %select_n3A_83 {strides = array<i32>} : memref<288x128xf32, #tpu.memory_space<vmem>>, vector<288x128xf32>,
    %eq3A = arith.constant 1.000000e+00 : f32
    %eq3A_87 = vector.broadcast %eq3A : f32 to vector<288x128xf32>
    %eq3A_88 = arith.cmpf oeq, %select_n3A_83, %eq3A_87 : vector<288x128xf32>
    %jit3A_89 = arith.constant 1.000000e+00 : f32
    %jit3A_90 = arith.constant 0.000000e+00 : f32
    %broadcast_in_dim3A_91 = vector.broadcast %jit3A_89 : f32 to vector<288x128xf32>
    %broadcast_in_dim3A_92 = vector.broadcast %jit3A_90 : f32 to vector<288x128xf32>
    %select_n3A_93 = arith.select %eq3A_88, %broadcast_in_dim3A_91, %broadcast_in_dim3A_92 : vector<288x128xi1>, vector<288x128xf32>
    %eq3A_94 = arith.constant 0.000000e+00 : f32
    %eq3A_95 = vector.broadcast %eq3A_94 : f32 to vector<288x128xf32>
    %eq3A_96 = arith.cmpf oeq, %select_n3A_83, %eq3A_95 : vector<288x128xf32>
    %jit3A_97 = arith.constant 1.000000e+00 : f32
    %jit3A_98 = arith.constant 0.000000e+00 : f32
    %broadcast_in_dim3A_99 = vector.broadcast %jit3A_97 : f32 to vector<288x128xf32>
    %broadcast_in_dim3A_100 = vector.broadcast %jit3A_98 : f32 to vector<288x128xf32>
    %select_n3A_101 = arith.select %eq3A_96, %broadcast_in_dim3A_99, %broadcast_in_dim3A_100 : vector<288x128xi1>, vector<288x128xf32>
    %reduce_sum3A = vector.shape_cast %select_n3A_93 : vector<288x128xf32> to vector<1x288x128xf32>
    %reduce_sum3A_102 = arith.constant dense<0.000000e+00> : vector<1xf32>
    %reduce_sum3A_103 = vector.multi_reduction <add>, %reduce_sum3A, %reduce_sum3A_102 [1, 2] : vector<1x288x128xf32> to vector<1xf32>
    %reduce_sum3A_104 = vector.shape_cast %reduce_sum3A_103 : vector<1xf32> to vector<1x1x1xf32>
    %reduce_sum3A_105 = vector.extract %reduce_sum3A_104[0, 0, 0] : f32 from vector<1x1x1xf32>
    %reduce_sum3A_106 = vector.shape_cast %select_n3A_101 : vector<288x128xf32> to vector<1x288x128xf32>
    %reduce_sum3A_107 = arith.constant dense<0.000000e+00> : vector<1xf32>
    %reduce_sum3A_108 = vector.multi_reduction <add>, %reduce_sum3A_106, %reduce_sum3A_107 [1, 2] : vector<1x288x128xf32> to vector<1xf32>
    %reduce_sum3A_109 = vector.shape_cast %reduce_sum3A_108 : vector<1xf32> to vector<1x1x1xf32>
    %reduce_sum3A_110 = vector.extract %reduce_sum3A_109[0, 0, 0] : f32 from vector<1x1x1xf32>
    %min3A = arith.constant 1.280000e+02 : f32
    %min3A_111 = arith.minimumf %reduce_sum3A_105, %min3A : f32
    %sub3A_112 = arith.constant 2.560000e+02 : f32
    %sub3A_113 = arith.subf %sub3A_112, %min3A_111 : f32
    %sub3A_114 = arith.constant 1.280000e+02 : f32
    %sub3A_115 = arith.subf %reduce_sum3A_105, %sub3A_114 : f32
    %sub3A_116 = arith.subf %reduce_sum3A_110, %sub3A_113 : f32
    %get3A_117 = arith.constant 0 : index
    %get3A_118 = arith.constant 0 : index
    %get3A_119 = vector.load %arg7[%get3A_117, %get3A_118] : memref<128x128xf32, #tpu.memory_space<vmem>>, vector<128x128xf32>
    %dot_general3A = arith.constant dense<0.000000e+00> : vector<288x128xf32>
    %dot_general3A_120 = tpu.matmul %select_n3A_93, %get3A_119, %dot_general3A {dimension_numbers = #tpu.dot_dimension_numbers<[1], [0], [0], [1], [0, 0, 1, 1], [], []>, transpose_lhs_hint = false} : vector<288x128xf32>, vector<128x128xf32>, vector<288x128xf32> -> vector<288x128xf32>
    %reduce_sum3A_121 = arith.constant dense<0.000000e+00> : vector<288xf32>
    %reduce_sum3A_122 = vector.multi_reduction <add>, %select_n3A_93, %reduce_sum3A_121 [1] : vector<288x128xf32> to vector<288xf32>
    %broadcast_in_dim3A_123 = vector.shape_cast %reduce_sum3A_122 : vector<288xf32> to vector<288x1xf32>
    %get3A_124 = arith.constant 0 : index
    %get3A_125 = arith.constant 0 : index
    %get3A_126 = vector.load %arg8[%get3A_124, %get3A_125] : memref<288x288xf32, #tpu.memory_space<vmem>>, vector<288x288xf32>
    %dot_general3A_127 = arith.constant dense<0.000000e+00> : vector<288x1xf32>
    %dot_general3A_128 = tpu.matmul %get3A_126, %broadcast_in_dim3A_123, %dot_general3A_127 {dimension_numbers = #tpu.dot_dimension_numbers<[1], [0], [0], [1], [0, 0, 1, 1], [], []>, transpose_lhs_hint = false} : vector<288x288xf32>, vector<288x1xf32>, vector<288x1xf32> -> vector<288x1xf32>
    %add3A_129 = vector.broadcast %dot_general3A_128 : vector<288x1xf32> to vector<288x128xf32>
    %add3A_130 = arith.addf %dot_general3A_120, %add3A_129 : vector<288x128xf32>
    %convert_element_type3A = arith.fptosi %add3A_130 : vector<288x128xf32> to vector<288x128xi32>
    %swap3A_131 = arith.constant 0 : index
    %swap3A_132 = arith.constant 0 : index
    %swap3A_133 = arith.constant 0 : index
    %swap3A_134 = vector.load %arg12[%swap3A_131, %swap3A_132, %swap3A_133] : memref<2x288x128xi32, #tpu.memory_space<vmem>>, vector<1x288x128xi32>
    %swap3A_135 = vector.shape_cast %swap3A_134 : vector<1x288x128xi32> to vector<288x128xi32>
    %swap3A_136 = vector.shape_cast %convert_element_type3A : vector<288x128xi32> to vector<1x288x128xi32>
    tpu.vector_store %arg12[%swap3A_131, %swap3A_132, %swap3A_133], %swap3A_136 {strides = array<i32>} : memref<2x288x128xi32, #tpu.memory_space<vmem>>, vector<1x288x128xi32>,
    %dot_general3A_137 = arith.constant dense<0.000000e+00> : vector<288x128xf32>
    %dot_general3A_138 = tpu.matmul %select_n3A_101, %get3A_119, %dot_general3A_137 {dimension_numbers = #tpu.dot_dimension_numbers<[1], [0], [0], [1], [0, 0, 1, 1], [], []>, transpose_lhs_hint = false} : vector<288x128xf32>, vector<128x128xf32>, vector<288x128xf32> -> vector<288x128xf32>
    %reduce_sum3A_139 = arith.constant dense<0.000000e+00> : vector<288xf32>
    %reduce_sum3A_140 = vector.multi_reduction <add>, %select_n3A_101, %reduce_sum3A_139 [1] : vector<288x128xf32> to vector<288xf32>
    %broadcast_in_dim3A_141 = vector.shape_cast %reduce_sum3A_140 : vector<288xf32> to vector<288x1xf32>
    %get3A_142 = arith.constant 0 : index
    %get3A_143 = arith.constant 0 : index
    %get3A_144 = vector.load %arg8[%get3A_142, %get3A_143] : memref<288x288xf32, #tpu.memory_space<vmem>>, vector<288x288xf32>
    %dot_general3A_145 = arith.constant dense<0.000000e+00> : vector<288x1xf32>
    %dot_general3A_146 = tpu.matmul %get3A_144, %broadcast_in_dim3A_141, %dot_general3A_145 {dimension_numbers = #tpu.dot_dimension_numbers<[1], [0], [0], [1], [0, 0, 1, 1], [], []>, transpose_lhs_hint = false} : vector<288x288xf32>, vector<288x1xf32>, vector<288x1xf32> -> vector<288x1xf32>
    %add3A_147 = vector.broadcast %dot_general3A_146 : vector<288x1xf32> to vector<288x128xf32>
    %add3A_148 = arith.addf %dot_general3A_138, %add3A_147 : vector<288x128xf32>
    %convert_element_type3A_149 = arith.fptosi %add3A_148 : vector<288x128xf32> to vector<288x128xi32>
    %swap3A_150 = arith.constant 1 : index
    %swap3A_151 = arith.constant 0 : index
    %swap3A_152 = arith.constant 0 : index
    %swap3A_153 = vector.load %arg12[%swap3A_150, %swap3A_151, %swap3A_152] : memref<2x288x128xi32, #tpu.memory_space<vmem>>, vector<1x288x128xi32>
    %swap3A_154 = vector.shape_cast %swap3A_153 : vector<1x288x128xi32> to vector<288x128xi32>
    %swap3A_155 = vector.shape_cast %convert_element_type3A_149 : vector<288x128xi32> to vector<1x288x128xi32>
    tpu.vector_store %arg12[%swap3A_150, %swap3A_151, %swap3A_152], %swap3A_155 {strides = array<i32>} : memref<2x288x128xi32, #tpu.memory_space<vmem>>, vector<1x288x128xi32>,
    %convert_element_type3A_156 = arith.fptosi %reduce_sum3A_105 : f32 to i32
    %convert_element_type3A_157 = arith.fptosi %reduce_sum3A_110 : f32 to i32
    %get3A_158 = arith.constant 0 : index
    %get3A_159 = arith.constant 0 : index
    %get3A_160 = arith.constant 0 : index
    %get3A_161 = vector.load %arg6[%get3A_158, %get3A_159, %get3A_160] : memref<4x148x128xi32, #tpu.memory_space<vmem>>, vector<1x148x128xi32>
    %get3A_162 = vector.shape_cast %get3A_161 : vector<1x148x128xi32> to vector<148x128xi32>
    %lt3A_163 = vector.broadcast %convert_element_type3A_156 : i32 to vector<148x128xi32>
    %lt3A_164 = arith.cmpi slt, %get3A_162, %lt3A_163 : vector<148x128xi32>
    %jit3A_165 = arith.constant 1.000000e+00 : f32
    %jit3A_166 = arith.constant 0.000000e+00 : f32
    %broadcast_in_dim3A_167 = vector.broadcast %jit3A_165 : f32 to vector<148x128xf32>
    %broadcast_in_dim3A_168 = vector.broadcast %jit3A_166 : f32 to vector<148x128xf32>
    %select_n3A_169 = arith.select %lt3A_164, %broadcast_in_dim3A_167, %broadcast_in_dim3A_168 : vector<148x128xi1>, vector<148x128xf32>
    %get3A_170 = arith.constant 1 : index
    %get3A_171 = arith.constant 0 : index
    %get3A_172 = arith.constant 0 : index
    %get3A_173 = vector.load %arg6[%get3A_170, %get3A_171, %get3A_172] : memref<4x148x128xi32, #tpu.memory_space<vmem>>, vector<1x148x128xi32>
    %get3A_174 = vector.shape_cast %get3A_173 : vector<1x148x128xi32> to vector<148x128xi32>
    %lt3A_175 = vector.broadcast %convert_element_type3A_156 : i32 to vector<148x128xi32>
    %lt3A_176 = arith.cmpi slt, %get3A_174, %lt3A_175 : vector<148x128xi32>
    %jit3A_177 = arith.constant 1.000000e+00 : f32
    %jit3A_178 = arith.constant 0.000000e+00 : f32
    %broadcast_in_dim3A_179 = vector.broadcast %jit3A_177 : f32 to vector<148x128xf32>
    %broadcast_in_dim3A_180 = vector.broadcast %jit3A_178 : f32 to vector<148x128xf32>
    %select_n3A_181 = arith.select %lt3A_176, %broadcast_in_dim3A_179, %broadcast_in_dim3A_180 : vector<148x128xi1>, vector<148x128xf32>
    %get3A_182 = arith.constant 2 : index
    %get3A_183 = arith.constant 0 : index
    %get3A_184 = arith.constant 0 : index
    %get3A_185 = vector.load %arg6[%get3A_182, %get3A_183, %get3A_184] : memref<4x148x128xi32, #tpu.memory_space<vmem>>, vector<1x148x128xi32>
    %get3A_186 = vector.shape_cast %get3A_185 : vector<1x148x128xi32> to vector<148x128xi32>
    %lt3A_187 = vector.broadcast %convert_element_type3A_157 : i32 to vector<148x128xi32>
    %lt3A_188 = arith.cmpi slt, %get3A_186, %lt3A_187 : vector<148x128xi32>
    %jit3A_189 = arith.constant 1.000000e+00 : f32
    %jit3A_190 = arith.constant 0.000000e+00 : f32
    %broadcast_in_dim3A_191 = vector.broadcast %jit3A_189 : f32 to vector<148x128xf32>
    %broadcast_in_dim3A_192 = vector.broadcast %jit3A_190 : f32 to vector<148x128xf32>
    %select_n3A_193 = arith.select %lt3A_188, %broadcast_in_dim3A_191, %broadcast_in_dim3A_192 : vector<148x128xi1>, vector<148x128xf32>
    %get3A_194 = arith.constant 3 : index
    %get3A_195 = arith.constant 0 : index
    %get3A_196 = arith.constant 0 : index
    %get3A_197 = vector.load %arg6[%get3A_194, %get3A_195, %get3A_196] : memref<4x148x128xi32, #tpu.memory_space<vmem>>, vector<1x148x128xi32>
    %get3A_198 = vector.shape_cast %get3A_197 : vector<1x148x128xi32> to vector<148x128xi32>
    %lt3A_199 = vector.broadcast %convert_element_type3A_157 : i32 to vector<148x128xi32>
    %lt3A_200 = arith.cmpi slt, %get3A_198, %lt3A_199 : vector<148x128xi32>
    %jit3A_201 = arith.constant 1.000000e+00 : f32
    %jit3A_202 = arith.constant 0.000000e+00 : f32
    %broadcast_in_dim3A_203 = vector.broadcast %jit3A_201 : f32 to vector<148x128xf32>
    %broadcast_in_dim3A_204 = vector.broadcast %jit3A_202 : f32 to vector<148x128xf32>
    %select_n3A_205 = arith.select %lt3A_200, %broadcast_in_dim3A_203, %broadcast_in_dim3A_204 : vector<148x128xi1>, vector<148x128xf32>
    %dot_general3A_206 = arith.constant dense<0.000000e+00> : vector<148x128xf32>
    %dot_general3A_207 = tpu.matmul %select_n3A_169, %get3A_119, %dot_general3A_206 {dimension_numbers = #tpu.dot_dimension_numbers<[1], [0], [0], [1], [0, 0, 1, 1], [], []>, transpose_lhs_hint = false} : vector<148x128xf32>, vector<128x128xf32>, vector<148x128xf32> -> vector<148x128xf32>
    %reduce_sum3A_208 = arith.constant dense<0.000000e+00> : vector<148xf32>
    %reduce_sum3A_209 = vector.multi_reduction <add>, %select_n3A_169, %reduce_sum3A_208 [1] : vector<148x128xf32> to vector<148xf32>
    %broadcast_in_dim3A_210 = vector.shape_cast %reduce_sum3A_209 : vector<148xf32> to vector<148x1xf32>
    %get3A_211 = arith.constant 0 : index
    %get3A_212 = arith.constant 0 : index
    %get3A_213 = vector.load %arg9[%get3A_211, %get3A_212] : memref<148x148xf32, #tpu.memory_space<vmem>>, vector<148x148xf32>
    %dot_general3A_214 = arith.constant dense<0.000000e+00> : vector<148x1xf32>
    %dot_general3A_215 = tpu.matmul %get3A_213, %broadcast_in_dim3A_210, %dot_general3A_214 {dimension_numbers = #tpu.dot_dimension_numbers<[1], [0], [0], [1], [0, 0, 1, 1], [], []>, transpose_lhs_hint = false} : vector<148x148xf32>, vector<148x1xf32>, vector<148x1xf32> -> vector<148x1xf32>
    %add3A_216 = vector.broadcast %dot_general3A_215 : vector<148x1xf32> to vector<148x128xf32>
    %add3A_217 = arith.addf %dot_general3A_207, %add3A_216 : vector<148x128xf32>
    %convert_element_type3A_218 = arith.fptosi %add3A_217 : vector<148x128xf32> to vector<148x128xi32>
    %swap3A_219 = arith.constant 0 : index
    %swap3A_220 = arith.constant 0 : index
    %swap3A_221 = arith.constant 0 : index
    %swap3A_222 = vector.load %arg13[%swap3A_219, %swap3A_220, %swap3A_221] : memref<2x148x128xi32, #tpu.memory_space<vmem>>, vector<1x148x128xi32>
    %swap3A_223 = vector.shape_cast %swap3A_222 : vector<1x148x128xi32> to vector<148x128xi32>
    %swap3A_224 = vector.shape_cast %convert_element_type3A_218 : vector<148x128xi32> to vector<1x148x128xi32>
    tpu.vector_store %arg13[%swap3A_219, %swap3A_220, %swap3A_221], %swap3A_224 {strides = array<i32>} : memref<2x148x128xi32, #tpu.memory_space<vmem>>, vector<1x148x128xi32>,
    %dot_general3A_225 = arith.constant dense<0.000000e+00> : vector<148x128xf32>
    %dot_general3A_226 = tpu.matmul %select_n3A_193, %get3A_119, %dot_general3A_225 {dimension_numbers = #tpu.dot_dimension_numbers<[1], [0], [0], [1], [0, 0, 1, 1], [], []>, transpose_lhs_hint = false} : vector<148x128xf32>, vector<128x128xf32>, vector<148x128xf32> -> vector<148x128xf32>
    %reduce_sum3A_227 = arith.constant dense<0.000000e+00> : vector<148xf32>
    %reduce_sum3A_228 = vector.multi_reduction <add>, %select_n3A_193, %reduce_sum3A_227 [1] : vector<148x128xf32> to vector<148xf32>
    %broadcast_in_dim3A_229 = vector.shape_cast %reduce_sum3A_228 : vector<148xf32> to vector<148x1xf32>
    %get3A_230 = arith.constant 0 : index
    %get3A_231 = arith.constant 0 : index
    %get3A_232 = vector.load %arg9[%get3A_230, %get3A_231] : memref<148x148xf32, #tpu.memory_space<vmem>>, vector<148x148xf32>
    %dot_general3A_233 = arith.constant dense<0.000000e+00> : vector<148x1xf32>
    %dot_general3A_234 = tpu.matmul %get3A_232, %broadcast_in_dim3A_229, %dot_general3A_233 {dimension_numbers = #tpu.dot_dimension_numbers<[1], [0], [0], [1], [0, 0, 1, 1], [], []>, transpose_lhs_hint = false} : vector<148x148xf32>, vector<148x1xf32>, vector<148x1xf32> -> vector<148x1xf32>
    %add3A_235 = vector.broadcast %dot_general3A_234 : vector<148x1xf32> to vector<148x128xf32>
    %add3A_236 = arith.addf %dot_general3A_226, %add3A_235 : vector<148x128xf32>
    %convert_element_type3A_237 = arith.fptosi %add3A_236 : vector<148x128xf32> to vector<148x128xi32>
    %swap3A_238 = arith.constant 1 : index
    %swap3A_239 = arith.constant 0 : index
    %swap3A_240 = arith.constant 0 : index
    %swap3A_241 = vector.load %arg13[%swap3A_238, %swap3A_239, %swap3A_240] : memref<2x148x128xi32, #tpu.memory_space<vmem>>, vector<1x148x128xi32>
    %swap3A_242 = vector.shape_cast %swap3A_241 : vector<1x148x128xi32> to vector<148x128xi32>
    %swap3A_243 = vector.shape_cast %convert_element_type3A_237 : vector<148x128xi32> to vector<1x148x128xi32>
    tpu.vector_store %arg13[%swap3A_238, %swap3A_239, %swap3A_240], %swap3A_243 {strides = array<i32>} : memref<2x148x128xi32, #tpu.memory_space<vmem>>, vector<1x148x128xi32>,
    %dot_general3A_244 = arith.constant dense<0.000000e+00> : vector<148x128xf32>
    %dot_general3A_245 = tpu.matmul %select_n3A_181, %get3A_119, %dot_general3A_244 {dimension_numbers = #tpu.dot_dimension_numbers<[1], [0], [0], [1], [0, 0, 1, 1], [], []>, transpose_lhs_hint = false} : vector<148x128xf32>, vector<128x128xf32>, vector<148x128xf32> -> vector<148x128xf32>
    %reduce_sum3A_246 = arith.constant dense<0.000000e+00> : vector<148xf32>
    %reduce_sum3A_247 = vector.multi_reduction <add>, %select_n3A_181, %reduce_sum3A_246 [1] : vector<148x128xf32> to vector<148xf32>
    %broadcast_in_dim3A_248 = vector.shape_cast %reduce_sum3A_247 : vector<148xf32> to vector<148x1xf32>
    %get3A_249 = arith.constant 0 : index
    %get3A_250 = arith.constant 0 : index
    %get3A_251 = vector.load %arg9[%get3A_249, %get3A_250] : memref<148x148xf32, #tpu.memory_space<vmem>>, vector<148x148xf32>
    %dot_general3A_252 = arith.constant dense<0.000000e+00> : vector<148x1xf32>
    %dot_general3A_253 = tpu.matmul %get3A_251, %broadcast_in_dim3A_248, %dot_general3A_252 {dimension_numbers = #tpu.dot_dimension_numbers<[1], [0], [0], [1], [0, 0, 1, 1], [], []>, transpose_lhs_hint = false} : vector<148x148xf32>, vector<148x1xf32>, vector<148x1xf32> -> vector<148x1xf32>
    %add3A_254 = vector.broadcast %dot_general3A_253 : vector<148x1xf32> to vector<148x128xf32>
    %add3A_255 = arith.addf %dot_general3A_245, %add3A_254 : vector<148x128xf32>
    %convert_element_type3A_256 = arith.fptosi %add3A_255 : vector<148x128xf32> to vector<148x128xi32>
    %swap3A_257 = arith.constant 0 : index
    %swap3A_258 = arith.constant 0 : index
    %swap3A_259 = arith.constant 0 : index
    %swap3A_260 = vector.load %arg14[%swap3A_257, %swap3A_258, %swap3A_259] : memref<2x148x128xi32, #tpu.memory_space<vmem>>, vector<1x148x128xi32>
    %swap3A_261 = vector.shape_cast %swap3A_260 : vector<1x148x128xi32> to vector<148x128xi32>
    %swap3A_262 = vector.shape_cast %convert_element_type3A_256 : vector<148x128xi32> to vector<1x148x128xi32>
    tpu.vector_store %arg14[%swap3A_257, %swap3A_258, %swap3A_259], %swap3A_262 {strides = array<i32>} : memref<2x148x128xi32, #tpu.memory_space<vmem>>, vector<1x148x128xi32>,
    %dot_general3A_263 = arith.constant dense<0.000000e+00> : vector<148x128xf32>
    %dot_general3A_264 = tpu.matmul %select_n3A_205, %get3A_119, %dot_general3A_263 {dimension_numbers = #tpu.dot_dimension_numbers<[1], [0], [0], [1], [0, 0, 1, 1], [], []>, transpose_lhs_hint = false} : vector<148x128xf32>, vector<128x128xf32>, vector<148x128xf32> -> vector<148x128xf32>
    %reduce_sum3A_265 = arith.constant dense<0.000000e+00> : vector<148xf32>
    %reduce_sum3A_266 = vector.multi_reduction <add>, %select_n3A_205, %reduce_sum3A_265 [1] : vector<148x128xf32> to vector<148xf32>
    %broadcast_in_dim3A_267 = vector.shape_cast %reduce_sum3A_266 : vector<148xf32> to vector<148x1xf32>
    %get3A_268 = arith.constant 0 : index
    %get3A_269 = arith.constant 0 : index
    %get3A_270 = vector.load %arg9[%get3A_268, %get3A_269] : memref<148x148xf32, #tpu.memory_space<vmem>>, vector<148x148xf32>
    %dot_general3A_271 = arith.constant dense<0.000000e+00> : vector<148x1xf32>
    %dot_general3A_272 = tpu.matmul %get3A_270, %broadcast_in_dim3A_267, %dot_general3A_271 {dimension_numbers = #tpu.dot_dimension_numbers<[1], [0], [0], [1], [0, 0, 1, 1], [], []>, transpose_lhs_hint = false} : vector<148x148xf32>, vector<148x1xf32>, vector<148x1xf32> -> vector<148x1xf32>
    %add3A_273 = vector.broadcast %dot_general3A_272 : vector<148x1xf32> to vector<148x128xf32>
    %add3A_274 = arith.addf %dot_general3A_264, %add3A_273 : vector<148x128xf32>
    %convert_element_type3A_275 = arith.fptosi %add3A_274 : vector<148x128xf32> to vector<148x128xi32>
    %swap3A_276 = arith.constant 1 : index
    %swap3A_277 = arith.constant 0 : index
    %swap3A_278 = arith.constant 0 : index
    %swap3A_279 = vector.load %arg14[%swap3A_276, %swap3A_277, %swap3A_278] : memref<2x148x128xi32, #tpu.memory_space<vmem>>, vector<1x148x128xi32>
    %swap3A_280 = vector.shape_cast %swap3A_279 : vector<1x148x128xi32> to vector<148x128xi32>
    %swap3A_281 = vector.shape_cast %convert_element_type3A_275 : vector<148x128xi32> to vector<1x148x128xi32>
    tpu.vector_store %arg14[%swap3A_276, %swap3A_277, %swap3A_278], %swap3A_281 {strides = array<i32>} : memref<2x148x128xi32, #tpu.memory_space<vmem>>, vector<1x148x128xi32>,
    %stack3A = vector.broadcast %reduce_sum3A_105 : f32 to vector<1xf32>
    %stack3A_282 = vector.broadcast %sub3A_115 : f32 to vector<1xf32>
    %stack3A_283 = vector.broadcast %reduce_sum3A_110 : f32 to vector<1xf32>
    %stack3A_284 = vector.broadcast %sub3A_116 : f32 to vector<1xf32>
    %stack3A_285 = tpu.concatenate %stack3A, %stack3A_282, %stack3A_283, %stack3A_284 in 0 : vector<1xf32>, vector<1xf32>, vector<1xf32>, vector<1xf32> -> vector<4xf32>
    %broadcast_in_dim3A_286 = vector.shape_cast %stack3A_285 : vector<4xf32> to vector<4x1xf32>
    %broadcast_in_dim3A_287 = vector.shape_cast %broadcast_in_dim3A_286 : vector<4x1xf32> to vector<4x1xf32>
    %broadcast_in_dim3A_288 = vector.broadcast %broadcast_in_dim3A_287 : vector<4x1xf32> to vector<4x128xf32>
    %convert_element_type3A_289 = arith.fptosi %broadcast_in_dim3A_288 : vector<4x128xf32> to vector<4x128xi32>
    %swap3A_290 = arith.constant 0 : index
    %swap3A_291 = arith.constant 0 : index
    %swap3A_292 = vector.load %arg11[%swap3A_290, %swap3A_291] : memref<4x128xi32, #tpu.memory_space<vmem>>, vector<4x128xi32>
    tpu.vector_store %arg11[%swap3A_290, %swap3A_291], %convert_element_type3A_289 {strides = array<i32>} : memref<4x128xi32, #tpu.memory_space<vmem>>, vector<4x128xi32>,
    %get3A_293 = arith.constant 0 : index
    %get3A_294 = arith.constant 0 : index
    %get3A_295 = vector.load %arg19[%get3A_293, %get3A_294] : memref<288x128xf32, #tpu.memory_space<vmem>>, vector<288x128xf32>
    %get3A_296 = arith.constant 0 : index
    %get3A_297 = arith.constant 0 : index
    %get3A_298 = vector.load %arg17[%get3A_296, %get3A_297] : memref<288x128xf32, #tpu.memory_space<vmem>>, vector<288x128xf32>
    %sub3A_299 = arith.subf %get3A_295, %get3A_298 : vector<288x128xf32>
    %add3A_300 = arith.constant 1.000000e+00 : f32
    %add3A_301 = vector.broadcast %add3A_300 : f32 to vector<288x128xf32>
    %add3A_302 = arith.addf %sub3A_299, %add3A_301 : vector<288x128xf32>
    %get3A_303 = arith.constant 0 : index
    %get3A_304 = arith.constant 0 : index
    %get3A_305 = vector.load %arg20[%get3A_303, %get3A_304] : memref<288x128xf32, #tpu.memory_space<vmem>>, vector<288x128xf32>
    %get3A_306 = arith.constant 0 : index
    %get3A_307 = arith.constant 0 : index
    %get3A_308 = vector.load %arg18[%get3A_306, %get3A_307] : memref<288x128xf32, #tpu.memory_space<vmem>>, vector<288x128xf32>
    %sub3A_309 = arith.subf %get3A_305, %get3A_308 : vector<288x128xf32>
    %add3A_310 = arith.constant 1.000000e+00 : f32
    %add3A_311 = vector.broadcast %add3A_310 : f32 to vector<288x128xf32>
    %add3A_312 = arith.addf %sub3A_309, %add3A_311 : vector<288x128xf32>
    %get3A_313 = arith.constant 0 : index
    %get3A_314 = arith.constant 0 : index
    %get3A_315 = vector.load %arg17[%get3A_313, %get3A_314] : memref<288x128xf32, #tpu.memory_space<vmem>>, vector<288x128xf32>
    %mul3A_316 = arith.constant 5.000000e-01 : f32
    %mul3A_317 = vector.broadcast %mul3A_316 : f32 to vector<288x128xf32>
    %mul3A_318 = arith.mulf %mul3A_317, %add3A_302 : vector<288x128xf32>
    %add3A_319 = arith.addf %get3A_315, %mul3A_318 : vector<288x128xf32>
    %get3A_320 = arith.constant 0 : index
    %get3A_321 = arith.constant 0 : index
    %get3A_322 = vector.load %arg18[%get3A_320, %get3A_321] : memref<288x128xf32, #tpu.memory_space<vmem>>, vector<288x128xf32>
    %mul3A_323 = arith.constant 5.000000e-01 : f32
    %mul3A_324 = vector.broadcast %mul3A_323 : f32 to vector<288x128xf32>
    %mul3A_325 = arith.mulf %mul3A_324, %add3A_312 : vector<288x128xf32>
    %add3A_326 = arith.addf %get3A_322, %mul3A_325 : vector<288x128xf32>
    %mul3A_327 = arith.constant 5.000000e-01 : f32
    %mul3A_328 = vector.broadcast %mul3A_327 : f32 to vector<288x128xf32>
    %mul3A_329 = arith.mulf %mul3A_328, %add3A_15 : vector<288x128xf32>
    %add3A_330 = arith.addf %get3A_1, %mul3A_329 : vector<288x128xf32>
    %mul3A_331 = arith.constant 5.000000e-01 : f32
    %mul3A_332 = vector.broadcast %mul3A_331 : f32 to vector<288x128xf32>
    %mul3A_333 = arith.mulf %mul3A_332, %add3A_19 : vector<288x128xf32>
    %add3A_334 = arith.addf %get3A_4, %mul3A_333 : vector<288x128xf32>
    %sub3A_335 = arith.subf %add3A_319, %add3A_330 : vector<288x128xf32>
    %div3A = arith.divf %sub3A_335, %add3A_15 : vector<288x128xf32>
    %sub3A_336 = arith.subf %add3A_326, %add3A_334 : vector<288x128xf32>
    %div3A_337 = arith.divf %sub3A_336, %add3A_19 : vector<288x128xf32>
    %div3A_338 = arith.divf %add3A_302, %add3A_15 : vector<288x128xf32>
    %log3A = math.log %div3A_338 : vector<288x128xf32>
    %div3A_339 = arith.divf %add3A_312, %add3A_19 : vector<288x128xf32>
    %log3A_340 = math.log %div3A_339 : vector<288x128xf32>
    %gt3A_341 = arith.constant 0.000000e+00 : f32
    %gt3A_342 = vector.broadcast %gt3A_341 : f32 to vector<288x128xf32>
    %gt3A_343 = arith.cmpf ogt, %get3A_13, %gt3A_342 : vector<288x128xf32>
    %jit3A_344 = arith.constant 0.000000e+00 : f32
    %broadcast_in_dim3A_345 = vector.broadcast %jit3A_344 : f32 to vector<288x128xf32>
    %select_n3A_346 = arith.select %gt3A_343, %div3A, %broadcast_in_dim3A_345 : vector<288x128xi1>, vector<288x128xf32>
    %swap3A_347 = arith.constant 0 : index
    %swap3A_348 = arith.constant 0 : index
    %swap3A_349 = arith.constant 0 : index
    %swap3A_350 = vector.load %arg15[%swap3A_347, %swap3A_348, %swap3A_349] : memref<4x288x128xf32, #tpu.memory_space<vmem>>, vector<1x288x128xf32>
    %swap3A_351 = vector.shape_cast %swap3A_350 : vector<1x288x128xf32> to vector<288x128xf32>
    %swap3A_352 = vector.shape_cast %select_n3A_346 : vector<288x128xf32> to vector<1x288x128xf32>
    tpu.vector_store %arg15[%swap3A_347, %swap3A_348, %swap3A_349], %swap3A_352 {strides = array<i32>} : memref<4x288x128xf32, #tpu.memory_space<vmem>>, vector<1x288x128xf32>,
    %gt3A_353 = arith.constant 0.000000e+00 : f32
    %gt3A_354 = vector.broadcast %gt3A_353 : f32 to vector<288x128xf32>
    %gt3A_355 = arith.cmpf ogt, %get3A_13, %gt3A_354 : vector<288x128xf32>
    %jit3A_356 = arith.constant 0.000000e+00 : f32
    %broadcast_in_dim3A_357 = vector.broadcast %jit3A_356 : f32 to vector<288x128xf32>
    %select_n3A_358 = arith.select %gt3A_355, %div3A_337, %broadcast_in_dim3A_357 : vector<288x128xi1>, vector<288x128xf32>
    %swap3A_359 = arith.constant 1 : index
    %swap3A_360 = arith.constant 0 : index
    %swap3A_361 = arith.constant 0 : index
    %swap3A_362 = vector.load %arg15[%swap3A_359, %swap3A_360, %swap3A_361] : memref<4x288x128xf32, #tpu.memory_space<vmem>>, vector<1x288x128xf32>
    %swap3A_363 = vector.shape_cast %swap3A_362 : vector<1x288x128xf32> to vector<288x128xf32>
    %swap3A_364 = vector.shape_cast %select_n3A_358 : vector<288x128xf32> to vector<1x288x128xf32>
    tpu.vector_store %arg15[%swap3A_359, %swap3A_360, %swap3A_361], %swap3A_364 {strides = array<i32>} : memref<4x288x128xf32, #tpu.memory_space<vmem>>, vector<1x288x128xf32>,
    %gt3A_365 = arith.constant 0.000000e+00 : f32
    %gt3A_366 = vector.broadcast %gt3A_365 : f32 to vector<288x128xf32>
    %gt3A_367 = arith.cmpf ogt, %get3A_13, %gt3A_366 : vector<288x128xf32>
    %jit3A_368 = arith.constant 0.000000e+00 : f32
    %broadcast_in_dim3A_369 = vector.broadcast %jit3A_368 : f32 to vector<288x128xf32>
    %select_n3A_370 = arith.select %gt3A_367, %log3A, %broadcast_in_dim3A_369 : vector<288x128xi1>, vector<288x128xf32>
    %swap3A_371 = arith.constant 2 : index
    %swap3A_372 = arith.constant 0 : index
    %swap3A_373 = arith.constant 0 : index
    %swap3A_374 = vector.load %arg15[%swap3A_371, %swap3A_372, %swap3A_373] : memref<4x288x128xf32, #tpu.memory_space<vmem>>, vector<1x288x128xf32>
    %swap3A_375 = vector.shape_cast %swap3A_374 : vector<1x288x128xf32> to vector<288x128xf32>
    %swap3A_376 = vector.shape_cast %select_n3A_370 : vector<288x128xf32> to vector<1x288x128xf32>
    tpu.vector_store %arg15[%swap3A_371, %swap3A_372, %swap3A_373], %swap3A_376 {strides = array<i32>} : memref<4x288x128xf32, #tpu.memory_space<vmem>>, vector<1x288x128xf32>,
    %gt3A_377 = arith.constant 0.000000e+00 : f32
    %gt3A_378 = vector.broadcast %gt3A_377 : f32 to vector<288x128xf32>
    %gt3A_379 = arith.cmpf ogt, %get3A_13, %gt3A_378 : vector<288x128xf32>
    %jit3A_380 = arith.constant 0.000000e+00 : f32
    %broadcast_in_dim3A_381 = vector.broadcast %jit3A_380 : f32 to vector<288x128xf32>
    %select_n3A_382 = arith.select %gt3A_379, %log3A_340, %broadcast_in_dim3A_381 : vector<288x128xi1>, vector<288x128xf32>
    %swap3A_383 = arith.constant 3 : index
    %swap3A_384 = arith.constant 0 : index
    %swap3A_385 = arith.constant 0 : index
    %swap3A_386 = vector.load %arg15[%swap3A_383, %swap3A_384, %swap3A_385] : memref<4x288x128xf32, #tpu.memory_space<vmem>>, vector<1x288x128xf32>
    %swap3A_387 = vector.shape_cast %swap3A_386 : vector<1x288x128xf32> to vector<288x128xf32>
    %swap3A_388 = vector.shape_cast %select_n3A_382 : vector<288x128xf32> to vector<1x288x128xf32>
    tpu.vector_store %arg15[%swap3A_383, %swap3A_384, %swap3A_385], %swap3A_388 {strides = array<i32>} : memref<4x288x128xf32, #tpu.memory_space<vmem>>, vector<1x288x128xf32>,
    return
  }
}

</mosaic_0001>

<sc_bundles>
// kernel: _impl.4.cloned.1.call-start
scs
__scs_entry_jumppad:
0x0: {  	(pc) =	sbr.rel $0x88, $3  }
0x1: {  	(tag) =	ssettag $0x0;
	lr =	simm.s32 $0x1  }
0x2: {  	[smem:$0x3FA0] =	sst lr;
	_ =	strace $0xD0000000  }
0x3: {  	_ = 	snop  }
0x4: {  	_ = 	snop  }
0x5: {  	_ = 	snop  }
0x6: {  	_ = 	snop  }
0x7: {  	_ = 	snop  }
__scs_overlays_trampoline_lowered:
0x8: {  	[smem:$0x3FAF] =	sst s0  }
0x9: {  	[smem:$0x3FB0] =	sst s1  }
0xa: {  	[smem:$0x3FB1] =	sst s2  }
0xb: {  	[smem:$0x3FB2] =	sst s3  }
0xc: {  	[smem:$0x3FB3] =	sst s4  }
0xd: {  	[smem:$0x3FB4] =	sst s5  }
0xe: {  	[smem:$0x3FB5] =	sst s6  }
0xf: {  	[smem:$0x3FB6] =	sst s7  }
0x10: {  	[smem:$0x3FB7] =	sst s8  }
0x11: {  	[smem:$0x3FB8] =	sst s9;
	s0 =	simm.s32 @!p0 $0x0  }
0x12: {  	s1 =	sld [smem:$0x3F9E];
	s0 =	simm.s32 @p0 $0x1  }
0x13: {  	[smem:$0x3FB9] =	sst s0;
	s0 =	simm.s32 @!p1 $0x0  }
0x14: {  	s2 =	sld [smem:$0x3F9D];
	s0 =	simm.s32 @p1 $0x1  }
0x15: {  	[smem:$0x3FBA] =	sst s0;
	s0 =	simm.s32 @!p2 $0x0  }
0x16: {  	s3 =	sld [smem:$0x3FDB];
	s0 =	simm.s32 @p2 $0x1  }
0x17: {  	s4 =	simm.s32 $0x1BF5;
	[smem:$0x3FBC] =	sst s0  }
0x18: {  	s0 =	sld [smem:$0x3F9F];
	_ =	swait.ge [sflag:s4], $0x0  }
0x19: {  	s7 =	sld [smem:$0x3FA0]  }
0x1a: {  	s8 =	sadd.s32 $0xFFFFE003, lr  }
0x1b: {  	s9 =	sadd.s32 $0xFFFFFEF7, lr;
	s5 =	simm.s32 $0xFFFFFFFF;
	p2 =	slt.u32 s8, $0xFFFFF086  }
0x1c: {  	p1 =	slt.u32 s9, $0xF7A;
	s5 =	simm.s32 @!p2 $0x0  }
0x1d: {  	s5 =	simm.s32 @p1 $0x1;
	p0 =	seq.s32 s7, s2  }
0x1e: {  	s7 =	smul.u32 @!p0 $0xF7A, s2;
	p2 =	seq.s32 @!p0 s5, $0x0  }
0x1f: {  	s9 =	smul.u32 $0xF7A, s1;
	s8 =	simm.s32 @!p0 $0x1BF5;
	p2 =	por !p2, p0  }
0x20: {  	[sflag:s8] =	ssyncset.s32 @!p0 $0xFFFFF086;
	s6 =	sadd.s32 @!p0 s3, s7;
	s7 =	simm.s32 @!p0 $0x108  }
0x21: {  	s3 =	sadd.s32 s3, s9;
	s6 =	sadd.s32 @!p0 $0x88, s6;
	s7 =	simm.s32 @p2 $0x1082  }
0x22: {  	[simem:s7], [sflag:s8] =	dma.local @!p0 [hbm:s6], $0xF7A  }
0x23: {  	s9 =	sor.u32 $0xD0000000, s2;
	s6 =	simm.s32 $0x108;
	_ =	swait.ge @!p0 [sflag:s8], $0x0  }
0x24: {  	s3 =	sadd.s32 $0x88, s3;
	s6 =	simm.s32 @!p1 $0x1082;
	[sflag:s4] =	ssyncset.s32 $0xFFFFF086  }
0x25: {  	[simem:s6], [sflag:s4] =	dma.local [hbm:s3], $0xF7A  }
0x26: {  	[smem:$0x3FA0] =	sst s1;
	(tag) =	ssettag s2;
	_ =	strace s9  }
0x27: {  	s1 =	sld [smem:$0x3FB0]  }
0x28: {  	s2 =	sld [smem:$0x3FB1]  }
0x29: {  	s4 =	sld [smem:$0x3FB3]  }
0x2a: {  	p0 =	seq.s32 s5, $0x0;
	s5 =	sld [smem:$0x3FB4]  }
0x2b: {  	s6 =	sld [smem:$0x3FB5]  }
0x2c: {  	s7 =	sld [smem:$0x3FB6]  }
0x2d: {  	s3 =	simm.s32 $0x108;
	s8 =	sld [smem:$0x3FB7]  }
0x2e: {  	s3 =	simm.s32 @!p0 $0x1082;
	s9 =	sld [smem:$0x3FB8]  }
0x2f: {  	lr =	sadd.s32 s0, s3;
	s0 =	sld [smem:$0x3FAF]  }
0x30: {  	s3 =	sld [smem:$0x3FB2]  }
0x31: {  	[smem:$0x3FBB] =	sst s10  }
0x32: {  	s10 =	sld [smem:$0x3FB9];
	_ =	sdelay $0x3  }
0x33: {  	p0 =	seq.s32 s10, $0x1;
	s10 =	sld [smem:$0x3FBB];
	_ =	sdelay $0x3  }
0x34: {  	[smem:$0x3FBB] =	sst s10  }
0x35: {  	s10 =	sld [smem:$0x3FBA];
	_ =	sdelay $0x3  }
0x36: {  	p1 =	seq.s32 s10, $0x1;
	s10 =	sld [smem:$0x3FBB];
	_ =	sdelay $0x3  }
0x37: {  	[smem:$0x3FBB] =	sst s10  }
0x38: {  	s10 =	sld [smem:$0x3FBC]  }
0x39: {  	_ = 	snop;
	(pc) =	sbr.ind lr, $3  }
0x3a: {  	_ = 	snop  }
0x3b: {  	_ = 	snop  }
0x3c: {  	p2 =	seq.s32 s10, $0x1;
	s10 =	sld [smem:$0x3FBB]  }
0x3d: {  	_ =	shalt  }
0x3e: {  	_ =	shalt  }
0x3f: {  	_ =	shalt  }
0x40: {  	_ =	shalt  }
0x41: {  	_ =	shalt  }
0x42: {  	_ =	shalt  }
0x43: {  	_ =	shalt  }
0x44: {  	_ =	shalt  }
0x45: {  	_ =	shalt  }
0x46: {  	_ =	shalt  }
0x47: {  	_ =	shalt  }
0x48: {  	_ =	shalt  }
0x49: {  	_ =	shalt  }
0x4a: {  	_ =	shalt  }
0x4b: {  	_ =	shalt  }
0x4c: {  	_ =	shalt  }
0x4d: {  	_ =	shalt  }
0x4e: {  	_ =	shalt  }
0x4f: {  	_ =	shalt  }
0x50: {  	_ =	shalt  }
0x51: {  	_ =	shalt  }
0x52: {  	_ =	shalt  }
0x53: {  	_ =	shalt  }
0x54: {  	_ =	shalt  }
0x55: {  	_ =	shalt  }
0x56: {  	_ =	shalt  }
0x57: {  	_ =	shalt  }
0x58: {  	_ =	shalt  }
0x59: {  	_ =	shalt  }
0x5a: {  	_ =	shalt  }
0x5b: {  	_ =	shalt  }
0x5c: {  	_ =	shalt  }
0x5d: {  	_ =	shalt  }
0x5e: {  	_ =	shalt  }
0x5f: {  	_ =	shalt  }
0x60: {  	_ =	shalt  }
0x61: {  	_ =	shalt  }
0x62: {  	_ =	shalt  }
0x63: {  	_ =	shalt  }
0x64: {  	_ =	shalt  }
0x65: {  	_ =	shalt  }
0x66: {  	_ =	shalt  }
0x67: {  	_ =	shalt  }
0x68: {  	_ =	shalt  }
0x69: {  	_ =	shalt  }
0x6a: {  	_ =	shalt  }
0x6b: {  	_ =	shalt  }
0x6c: {  	_ =	shalt  }
0x6d: {  	_ =	shalt  }
0x6e: {  	_ =	shalt  }
0x6f: {  	_ =	shalt  }
0x70: {  	_ =	shalt  }
0x71: {  	_ =	shalt  }
0x72: {  	_ =	shalt  }
0x73: {  	_ =	shalt  }
0x74: {  	_ =	shalt  }
0x75: {  	_ =	shalt  }
0x76: {  	_ =	shalt  }
0x77: {  	_ =	shalt  }
0x78: {  	_ =	shalt  }
0x79: {  	_ =	shalt  }
0x7a: {  	_ =	shalt  }
0x7b: {  	_ =	shalt  }
0x7c: {  	_ =	shalt  }
0x7d: {  	_ =	shalt  }
0x7e: {  	_ =	shalt  }
0x7f: {  	_ =	shalt  }
0x80: {  	_ =	shalt  }
0x81: {  	_ =	shalt  }
0x82: {  	_ =	shalt  }
0x83: {  	_ =	shalt  }
0x84: {  	_ =	shalt  }
0x85: {  	_ =	shalt  }
0x86: {  	_ =	shalt  }
0x87: {  	_ =	shalt  }
.Lfunc_end0:
.L_simem_size_0:
called_computation_lowered:
.L_overlay_start_0:
0x88: {  	s2 =	sld [smem:$0x3FD9]  }
0x89: {  	s3 =	sld [smem:$0x3FFE];
	_ =	sdelay $0x1  }
0x8a: {  	s1 =	srdreg.scid  }
0x8b: {  	s0 =	sand.u32 $0x1, s1  }
0x8c: {  	s14 =	sshll.u32 s0, $0xA;
	s2 =	sadd.s32 s3, s2  }
0x8d: {  	s2 =	sadd.s32 s2, s14  }
0x8e: {  	[smem:$0x3FC7] =	sst s2  }
0x8f: {  	_ = 	snop  }
0x90: {  	s2 =	sld [smem:$0x3FD0];
	_ =	sdelay $0x2  }
0x91: {  	s15 =	simm.s32 $0xA;
	s4 =	simm.s32 $0x10  }
0x92: {  	[smem:s4], [sflag:s15] =	dma.local [hbm:s2], $0x1  }
0x93: {  	_ =	swait.eq [sflag:s15], $0x1  }
0x94: {  	[sflag:s15] =	ssyncset.done $0x0  }
0x95: {  	[sflag:s15] =	ssyncadd.s32 $0xFFFFFFFF  }
0x96: {  	s16 =	sld [smem:$0x10];
	(tm) =	ssettm $0x1  }
0x97: {  	s17 =	sld [smem:$0x3FFB];
	_ =	sdelay $0x3  }
0x98: {  	_ =	strace s17  }
0x99: {  	s3 =	sld [smem:$0x3FFC];
	_ =	sdelay $0x3  }
0x9a: {  	_ =	strace s3  }
0x9b: {  	s3 =	sld [smem:$0x3FFD];
	_ =	sdelay $0x3  }
0x9c: {  	_ =	strace s3  }
0x9d: {  	_ =	strace $0x8FFFFFFF  }
0x9e: {  	s18 =	sld [smem:$0x3FDB];
	_ =	sdelay $0x1  }
0x9f: {  	s19 =	simm.s32 $_scs_section_size  }
0xa0: {  	s5 =	simm.s32 $_size__tile_overlayer_lowered;
	s6 =	simm.s32 $_tile_overlayer_lowered  }
0xa1: {  	s22 =	simm.s32 $0x1BFF;
	s21 =	sshll.u32 s6, $0x1;
	s3 =	sadd.s32 s19, s18  }
0xa2: {  	s7 =	simm.s32 $0x0;
	s20 =	sshll.u32 s5, $0x1;
	s5 =	sadd.s32 s21, s3  }
0xa3: {  	[timem:s7], [sflag:s22] =	dma.local [hbm:s5], s20  }
0xa4: {  	_ =	swait.ge [sflag:s22], s20  }
0xa5: {  	s4 =	ssub.s32 $0x0, s20;
	[sflag:s22] =	ssyncset.done $0x0  }
0xa6: {  	[sflag:s22] =	ssyncadd.s32 s4;
	_ =	sdelay $0x1  }
0xa7: {  	s23 =	simm.s32 $0x1B8B  }
0xa8: {  	_ =	swait.ge [sflag:s23], $0x1  }
0xa9: {  	[sflag:s23] =	ssyncset.done $0x0  }
0xaa: {  	s25 =	simm.s32 $0x1B8E;
	s24 =	sld [smem:$0x3FFE];
	[sflag:s23] =	ssyncadd.s32 $0xFFFFFFFF  }
0xab: {  	s26 =	simm.s32 $execute0_lowered;
	[smem:$0x3FD2] =	sst s25  }
0xac: {  	s5 =	sshll.u32 s26, $0x1;
	_ =	strace $0x80000046;
	[dreg:$0x1] =	wrdreg $0xFFFFFFFF  }
0xad: {  	s28 =	simm.s32 $_size_execute0_lowered;
	s3 =	sadd.s32 s3, s5;
	[dreg:$0x0] =	wrdreg $0x0  }
0xae: {  	s5 =	sshll.u32 s28, $0x1;
	[dreg:$0x2] =	wrdreg s3  }
0xaf: {  	[dreg:$0x3] =	wrdreg s5  }
0xb0: {  	[dreg:$0x4] =	wrdreg $0xC0  }
0xb1: {  	_ =	task [dreg:s7], $0x5FFFF  }
0xb2: {  	[dreg:$0x1] =	wrdreg $0xFFFFFFFF  }
0xb3: {  	[dreg:$0x0] =	wrdreg $0x60  }
0xb4: {  	[dreg:$0x2] =	wrdreg s24  }
0xb5: {  	[dreg:$0x3] =	wrdreg s16  }
0xb6: {  	[dreg:$0x4] =	wrdreg $0x9  }
0xb7: {  	_ =	task.clear_ibuf [dreg:s7], $0x5FFFF;
	_ =	strace $0x90000046  }
0xb8: {  	s29 =	simm.s32 $0x9;
	_ =	strace $0x80000048  }
0xb9: {  	_ =	swait.ge [sflag:s29], $0x1  }
0xba: {  	[sflag:s29] =	ssyncadd.s32 $0xFFFFFFFF  }
0xbb: {  	_ =	strace $0x90000048  }
0xbc: {  	_ =	sfence  }
0xbd: {  	s30 =	sld [smem:$0x0];
	_ =	sdelay $0x2  }
0xbe: {  	s31 =	sshll.u32 s1, $0xD;
	s1 =	sshrl.u32 s1, $0x2  }
0xbf: {  	s3 =	sand.u32 $0x4000, s31;
	s1 =	sadd.s32 s1, s30  }
0xc0: {  	s0 =	sor.u32 s3, s0;
	s1 =	sshll.u32 s1, $0x11  }
0xc1: {  	s0 =	sor.u32 s1, s0  }
0xc2: {  	s0 =	sadd.s32 $0x8F2B, s0  }
0xc3: {  	[sflag:s0] =	ssyncadd.remote.s32 $0x1  }
0xc4: {  	_ =	sfence.sel $0xFFFF  }
0xc5: {  	[dreg:$0x0] =	wrdreg $0xFFFFFFFF;
	(pc) =	sbr.abs _section_cstart, $3  }
0xc6: {  	[dreg:$0x1] =	wrdreg $0xFFFFFFFF  }
0xc7: {  	_ =	task.clear_ibuf [dreg:s7], $0x2FFFF;
	_ =	strace $0x9FFFFFFF  }
0xc8: {  	(tm) =	ssettm $0x7FFFFFFF  }
0xc9: {  	_ =	shalt  }
tec
execute0_lowered:
.L_overlay_start_1:
0x0: {  	(tag) =	ssettag $0x1  }
0x1: {  	s0 =	srdreg.scid;
	s1 =	rddreg [dreg:$0x0]  }
0x2: {  	s16 =	stileid.u32;
	s15 =	rddreg [dreg:$0x1];
	s21 =	simm.f32 $1.000000000e+00  }
0x3: {  	s29 =	simm.f32 $-2.000000000e+00;
	s17 =	simm.s32 $0x1;
	s18 =	simm.s32 $0x4A00  }
0x4: {  	s19 =	simm.s32 $0x9400;
	s20 =	simm.s32 $0xDE00;
	s0 =	sand.u32 $0x1, s0  }
0x5: {  	s2 =	sand.u32 $0x7, s16;
	s12 =	sshrl.u32 s16, $0x3;
	s16 =	smul.u32 $0x480, s16  }
0x6: {  	s22 =	simm.s32 $0x13100;
	s23 =	simm.s32 $0x14300;
	s11 =	smul.u32 $0x4800, s0  }
0x7: {  	s28 =	simm.s32 $0x14880;
	s30 =	simm.s32 $0x15180;
	s3 =	smul.u32 $0x900, s2  }
0x8: {  	s31 =	simm.s32 $0x0;
	s13 =	sadd.s32 $0x2800, s1;
	s4 =	smul.u32 $0x9000, s12  }
0x9: {  	s2 =	simm.s32 $0x0;
	s24 =	smul.u32 $0x940, s12;
	s25 =	sshll.u32 s12, $0x5  }
0xa: {  	s0 =	ssub.s32 $0x2, s0;
	p0 =	seq.s32 s12, $0x0;
	[smem:$0x7FF] =	sst s2  }
0xb: {  	s10 =	sadd.s32 s25, s1;
	s26 =	sshrl.u32 s0, $0x1;
	s21 =	simm.s32 @!p0 $0x0  }
0xc: {  	s29 =	simm.s32 @!p0 $0xBF800000;
	s25 =	simm.s32 $0x13A00;
	s6 =	sadd.s32 s11, s3  }
0xd: {  	_ =	strace $0x80000047;
	s7 =	sadd.s32 s24, s1;
	s0 =	ssub.s32 s0, s26  }
0xe: {  	s11 =	sadd.s32 s16, s11;
	s24 =	simm.s32 $0x14380;
	s26 =	simm.s32 $0x14400  }
0xf: {  	v1 =	vmov s29;
	s29 =	simm.s32 $0x14D00;
	s3 =	sadd.s32 s4, s6;
	s4 =	sadd.s32 $0x8800, s7  }
0x10: {  	s5 =	sadd.s32 $0x6000, s7;
	s9 =	sshrl.u32 s6, $0x3;
	s6 =	sadd.s32 $0x7400, s7  }
0x11: {  	s16 =	sshrl.u32 s11, $0x3;
	s14 =	sshrl.u32 s3, $0x3;
	s3 =	sadd.s32 $0x9C00, s7  }
0x12: {  	s7 =	sadd.s32 s13, s9;
	s9 =	sadd.s32 $0x3A00, s10;
	s10 =	sadd.s32 $0x3A10, s10  }
0x13: {  	s13 =	sadd.s32 s13, s16;
	s8 =	sadd.s32 s14, s1;
	s1 =	sadd.s32 $0xB000, s1  }
0x14: {  	s15 =	sadd.s32 s15, s16;
	s8 =	sadd.s32 $0x3C00, s8;
	s12 =	sadd.s32 s1, s16  }
0x15: {  	v0 =	vmov s21;
	s11 =	sadd.s32 s1, s14;
	s16 =	smax.u32 s0, $0x1;
	s14 =	sadd.s32 $0x1200, s12  }
.LBB2_1:
0x16: {  	[tilespmem:s2], [sflag:$0x1] =	stream.linear.gather [hbm4b:s3+s2], $0x4A00, $0x38;
	[tilespmem:$0x15600] =	vst v63  }
0x17: {  	_ =	swait.ge [sflag:s17], $0x4A00  }
0x18: {  	[sflag:s17] =	ssyncset.done $0x0  }
0x19: {  	[sflag:s17] =	ssyncadd.s32 $0xFFFFB600  }
0x1a: {  	[tilespmem:s18], [sflag:$0x1] =	stream.linear.gather [hbm4b:s4+s2], $0x4A00, $0x38;
	[tilespmem:$0x15600] =	vst v63  }
0x1b: {  	_ =	swait.ge [sflag:s17], $0x4A00  }
0x1c: {  	[sflag:s17] =	ssyncset.done $0x0  }
0x1d: {  	[sflag:s17] =	ssyncadd.s32 $0xFFFFB600  }
0x1e: {  	[tilespmem:s19], [sflag:$0x1] =	stream.linear.gather [hbm4b:s5+s2], $0x4A00, $0x38;
	[tilespmem:$0x15600] =	vst v63  }
0x1f: {  	_ =	swait.ge [sflag:s17], $0x4A00  }
0x20: {  	[sflag:s17] =	ssyncset.done $0x0  }
0x21: {  	[sflag:s17] =	ssyncadd.s32 $0xFFFFB600  }
0x22: {  	[tilespmem:s20], [sflag:$0x1] =	stream.linear.gather [hbm4b:s6+s2], $0x4A00, $0x38;
	[tilespmem:$0x15600] =	vst v63  }
0x23: {  	_ =	swait.ge [sflag:s17], $0x4A00  }
0x24: {  	[sflag:s17] =	ssyncset.done $0x0  }
0x25: {  	s0 =	simm.s32 $0x12800;
	[sflag:s17] =	ssyncadd.s32 $0xFFFFB600  }
0x26: {  	[tilespmem:s0], [sflag:$0x1] =	stream.linear.gather [hbm4b:s7+s2], $0x900, $0x38;
	[tilespmem:$0x15600] =	vst v63  }
0x27: {  	_ =	swait.ge [sflag:s17], $0x900  }
0x28: {  	[sflag:s17] =	ssyncset.done $0x0  }
0x29: {  	[sflag:s17] =	ssyncadd.s32 $0xFFFFF700  }
0x2a: {  	[tilespmem:s22], [sflag:$0x1] =	stream.linear.gather [hbm4b:s8+s2], $0x900, $0x38;
	[tilespmem:$0x15600] =	vst v63  }
0x2b: {  	_ =	swait.ge [sflag:s17], $0x900  }
0x2c: {  	[sflag:s17] =	ssyncset.done $0x0  }
0x2d: {  	[sflag:s17] =	ssyncadd.s32 $0xFFFFF700  }
0x2e: {  	[tilespmem:s23], [sflag:$0x1] =	stream.linear.gather [hbm4b:s9+s2], $0x10, $0x38;
	[tilespmem:$0x15600] =	vst v63  }
0x2f: {  	_ =	swait.ge [sflag:s17], $0x10  }
0x30: {  	[sflag:s17] =	ssyncset.done $0x0  }
0x31: {  	[sflag:s17] =	ssyncadd.s32 $0xFFFFFFF0  }
0x32: {  	[tilespmem:s24], [sflag:$0x1] =	stream.linear.gather [hbm4b:s10+s2], $0x10, $0x38;
	[tilespmem:$0x15600] =	vst v63  }
0x33: {  	_ =	swait.ge [sflag:s17], $0x10  }
0x34: {  	[sflag:s17] =	ssyncset.done $0x0  }
0x35: {  	s1 =	simm.s32 $0x0;
	[sflag:s17] =	ssyncadd.s32 $0xFFFFFFF0  }
0x36: {  	v2 =	vld [tilespmem:s1+$0x13100];
	_ =	sdelay $0x7  }
0x37: {  	v2 =	vld.idx.msk [tilespmem:v2+s2+$0x0], $0xffff;
	_ =	sdelay $0x7  }
0x38: {  	v2 =	vld.idx.msk [tilespmem:v2+s19+$0x0], $0xffff;
	_ =	sdelay $0x7  }
0x39: {  	v4 =	vld.idx.msk [tilespmem:v2+s18+$0x0], $0xffff;
	_ =	sdelay $0x5  }
0x3a: {  	v3 =	vld [tilespmem:$0x14300]  }
0x3b: {  	v5 =	vld [tilespmem:s1+$0x12800]  }
0x3c: {  	v4 =	vld.idx.msk [tilespmem:v4+s20+$0x0], $0xffff  }
0x3d: {  	s21 =	simm.s32 $0x10;
	s0 =	simm.s32 $0x80;
	v6 =	vld [tilespmem:$0x14380]  }
.LBB2_2:
0x3e: {  	p0 =	sne.s32 s0, $0x23C0;
	v7 =	vld [tilespmem:s21+$0x13100];
	_ =	sdelay $0x1  }
0x3f: {  	vm0 =	vgt.s32 v3, $0x659  }
0x40: {  	v2 =	vsel vm0, v4, v2  }
0x41: {  	vm0 =	veq.f32 v5, v0;
	vm1 =	vlt.s32 v2, v6  }
0x42: {  	vm0 =	vmand vm0, vm1  }
0x43: {  	v2 =	vnsel vm0, $0x0, v1  }
0x44: {  	[tilespmem:s1+$0x13A00] =	vst v2;
	s1 =	smov.u32 s21  }
0x45: {  	v2 =	vld.idx.msk [tilespmem:v7+s2+$0x0], $0xffff;
	_ =	sdelay $0x7  }
0x46: {  	v2 =	vld.idx.msk [tilespmem:v2+s19+$0x0], $0xffff;
	_ =	sdelay $0x7  }
0x47: {  	v4 =	vld.idx.msk [tilespmem:v2+s18+$0x0], $0xffff;
	_ =	sdelay $0x5  }
.Ltmp0:
0x48: {  	(pc) =	sbr.rel @p0 .LBB2_2-.Ltmp0, $4  }
0x49: {  	v3 =	vld [tilespmem:$0x14300]  }
0x4a: {  	v4 =	vld.idx.msk [tilespmem:v4+s20+$0x0], $0xffff  }
0x4b: {  	v5 =	vld [tilespmem:s1+$0x12800]  }
0x4c: {  	s21 =	sshra.s32 s0, $0x2;
	s0 =	sadd.s32 $0x40, s0;
	v6 =	vld [tilespmem:$0x14380]  }
0x4d: {  	v7 =	vld [tilespmem:s21+$0x13100];
	_ =	sdelay $0x1  }
0x4e: {  	vm0 =	vgt.s32 v3, $0x659  }
0x4f: {  	v2 =	vsel vm0, v4, v2  }
0x50: {  	vm12 =	veq.f32 v5, v0;
	vm1 =	vlt.s32 v2, v6  }
0x51: {  	vm0 =	vmand vm12, vm1  }
0x52: {  	v2 =	vnsel vm0, $0x0, v1  }
0x53: {  	[tilespmem:s1+$0x13A00] =	vst v2  }
0x54: {  	v2 =	vld.idx.msk [tilespmem:v7+s2+$0x0], $0xffff;
	_ =	sdelay $0x7  }
0x55: {  	v2 =	vld.idx.msk [tilespmem:v2+s19+$0x0], $0xffff;
	_ =	sdelay $0x7  }
0x56: {  	v3 =	vld.idx.msk [tilespmem:v2+s18+$0x0], $0xffff;
	_ =	sdelay $0x5  }
0x57: {  	v4 =	vld [tilespmem:$0x14300]  }
0x58: {  	v5 =	vld [tilespmem:s21+$0x12800]  }
0x59: {  	v3 =	vld.idx.msk [tilespmem:v3+s20+$0x0], $0xffff  }
0x5a: {  	v6 =	vld [tilespmem:$0x14380];
	_ =	sdelay $0x2  }
0x5b: {  	vm13 =	vgt.s32 v4, $0x659  }
0x5c: {  	v2 =	vsel vm13, v3, v2  }
0x5d: {  	vm14 =	veq.f32 v5, v0;
	vm15 =	vlt.s32 v2, v6  }
0x5e: {  	vm0 =	vmand vm14, vm15  }
0x5f: {  	v2 =	vnsel vm0, $0x0, v1  }
0x60: {  	s0 =	simm.s32 $0x0;
	[tilespmem:s21+$0x13A00] =	vst v2  }
0x61: {  	[hbm4b:s11+s0] =	stream.linear.scatter [tilespmem:s25], [sflag:$0x1], $0x900, $0x38;
	[tilespmem:$0x15600] =	vst v63  }
0x62: {  	_ =	swait.ge [sflag:s17], $0x900  }
0x63: {  	[sflag:s17] =	ssyncset.done $0x0  }
0x64: {  	[sflag:s17] =	ssyncadd.s32 $0xFFFFF700  }
0x65: {  	[bflag:$0x0] =	sbarrier.arrive $0xFFFF  }
0x66: {  	[tilespmem:s26], [sflag:$0x1] =	stream.linear.gather [hbm4b:s13+s0], $0x480, $0x38;
	[tilespmem:$0x15600] =	vst v63  }
0x67: {  	_ =	swait.ge [sflag:s17], $0x480  }
0x68: {  	[sflag:s17] =	ssyncset.done $0x0  }
0x69: {  	[sflag:s17] =	ssyncadd.s32 $0xFFFFFB80  }
0x6a: {  	[tilespmem:s28], [sflag:$0x1] =	stream.linear.gather [hbm4b:s12+s0], $0x480, $0x38;
	[tilespmem:$0x15600] =	vst v63  }
0x6b: {  	_ =	swait.ge [sflag:s17], $0x480  }
0x6c: {  	[sflag:s17] =	ssyncset.done $0x0  }
0x6d: {  	[sflag:s17] =	ssyncadd.s32 $0xFFFFFB80  }
0x6e: {  	[tilespmem:s29], [sflag:$0x1] =	stream.linear.gather [hbm4b:s14+s0], $0x480, $0x38;
	[tilespmem:$0x15600] =	vst v63  }
0x6f: {  	_ =	swait.ge [sflag:s17], $0x480  }
0x70: {  	[sflag:s17] =	ssyncset.done $0x0  }
0x71: {  	s0 =	simm.s32 $0x0;
	[sflag:s17] =	ssyncadd.s32 $0xFFFFFB80  }
0x72: {  	v2 =	vld [tilespmem:s0+$0x14400]  }
0x73: {  	v3 =	vld [tilespmem:s0+$0x14880];
	_ =	sdelay $0x1  }
0x74: {  	v4 =	vld [tilespmem:s0+$0x14D00]  }
0x75: {  	s1 =	simm.s32 $0x40  }
.LBB2_4:
0x76: {  	s21 =	sshra.s32 s1, $0x2;
	p0 =	sne.s32 s1, $0x11C0  }
.Ltmp1:
0x77: {  	s1 =	sadd.s32 $0x40, s1;
	v5 =	vadd.f32 v3, v2;
	v2 =	vld [tilespmem:s21+$0x14400];
	(pc) =	sbr.rel @p0 .LBB2_4-.Ltmp1, $4  }
0x78: {  	v3 =	vld [tilespmem:s21+$0x14880]  }
0x79: {  	v5 =	vadd.f32 v4, v5  }
0x7a: {  	v4 =	vld [tilespmem:s21+$0x14D00]  }
0x7b: {  	[tilespmem:s0+$0x15180] =	vst v5;
	s0 =	smov.u32 s21  }
0x7c: {  	_ = 	snop  }
0x7d: {  	v2 =	vadd.f32 v3, v2;
	_ =	sdelay $0x1  }
0x7e: {  	s31 =	sadd.s32 $0x1, s31;
	v2 =	vadd.f32 v4, v2  }
0x7f: {  	p0 =	sne.s32 s31, s16  }
.Ltmp2:
0x80: {  	[tilespmem:s0+$0x15180] =	vst v2;
	(pc) =	sbr.rel @p0 .LBB2_1-.Ltmp2, $4  }
0x81: {  	[hbm4b:s15+s2] =	stream.linear.scatter [tilespmem:s30], [sflag:$0x1], $0x480, $0x38;
	[tilespmem:$0x15600] =	vst v63  }
0x82: {  	_ =	swait.ge [sflag:s17], $0x480  }
0x83: {  	[sflag:s17] =	ssyncset.done $0x0  }
0x84: {  	[sflag:s17] =	ssyncadd.s32 $0xFFFFFB80  }
0x85: {  	_ =	sfence.sel $0x180000  }
0x86: {  	[bflag:$0x0] =	sbarrier.arrive $0xFFFF  }
0x87: {  	_ =	strace $0x90000047  }
0x88: {  	s0 =	stileid.u32;
	[bflag:$0x2] =	sbarrier.arrive $0xFFFF  }
0x89: {  	p0 =	sne.s32 s0, $0x0;
	s0 =	rddreg [dreg:$0x2]  }
0x8a: {  	s0 =	sadd.s32 @!p0 $0x100000, s0  }
0x8b: {  	[sflag:s0] =	ssyncadd.tile.s32 @!p0 $0x1;
	_ =	shalt  }
.Lfunc_end2:
_tile_overlayer_lowered:
.L_overlay_start_2:
0x8c: {  	(tag) =	ssettag $0x2  }
0x8d: {  	s0 =	rddreg [dreg:$0x0];
	s2 =	stileid.u32  }
0x8e: {  	s1 =	rddreg [dreg:$0x1];
	p0 =	sne.s32 s2, $0x0  }
0x8f: {  	s3 =	rddreg [dreg:$0x2];
	[bflag:$0x3] =	sbarrier.arrive $0xFFFF;
	s2 =	simm.s32 @!p0 $0x1C01  }
0x90: {  	[timem:s3], [sflag:s2] =	dma.local @!p0 [hbm:s0], s1  }
0x91: {  	s0 =	simm.s32 @!p0 $0x1  }
0x92: {  	_ =	swait.ge @!p0 [sflag:s0], s1  }
0x93: {  	s1 =	ssub.s32 @!p0 $0x0, s1;
	[sflag:s0] =	ssyncset.done @!p0 $0x0  }
0x94: {  	[sflag:s0] =	ssyncadd.s32 @!p0 s1  }
0x95: {  	[bflag:$0x3] =	sbarrier.arrive $0xFFFF  }
0x96: {  	_ =	shalt  }

</sc_bundles>
